<compile_context>
chip_gen: v7x
topology: tpu7x:2x2x1
jax: 0.10.2.dev20260603
libtpu: 0.0.44.dev20260713+nightly
codegen_flags: <defaults>
</compile_context>

<pallas_src>
import functools

import jax
import jax.numpy as jnp
from jax import lax
from jax.experimental import pallas as pl
from jax.experimental.pallas import tpu as pltpu
from jax.experimental.pallas import tpu_sc as plsc

NSEG = 256
NROWS = 100000
D = 768
LANES = 128
CT = D // LANES
NPIECE = NROWS * CT
NC, NS = 2, 16
NW = NC * NS
CHUNK = 32
PIECES = CHUNK * CT
HALF = PIECES // 2
NCH = NROWS // CHUNK
NKMAX = -(-NCH // NW)
NFULL = NCH - NW * (NKMAX - 1)
NBUF = 3
CW = 16
ACC = NSEG * CT
ARS = ACC // NS
RS = NSEG // NS


def _sc_segment_sum(xp, pidx3, batch3, ones, zsum, zcnt):
    mesh = plsc.VectorSubcoreMesh(
        core_axis_name="c", subcore_axis_name="s",
        num_cores=NC, num_subcores=NS)

    @functools.partial(
        pl.kernel,
        out_type=[
            jax.ShapeDtypeStruct((NC, ACC, LANES), jnp.float32),
            jax.ShapeDtypeStruct((NC, NSEG, CW), jnp.float32),
        ],
        mesh=mesh,
        scratch_types=[
            pltpu.VMEM((NKMAX, 2, HALF), jnp.int32),
            pltpu.VMEM((NKMAX, CHUNK), jnp.int32),
            pltpu.VMEM((NBUF, PIECES, LANES), jnp.float32),
            pltpu.VMEM((CHUNK, CW), jnp.float32),
            pltpu.VMEM_SHARED((ACC, LANES), jnp.float32),
            pltpu.VMEM_SHARED((NSEG, CW), jnp.float32),
            pltpu.SemaphoreType.DMA((NBUF,)),
            pltpu.SemaphoreType.DMA((NBUF,)),
            pltpu.SemaphoreType.DMA((NBUF,)),
        ],
        compiler_params=pltpu.CompilerParams(use_tc_tiling_on_sc=False),
    )
    def body(xp_hbm, pidx_hbm, b3_hbm, ones_hbm, zs_hbm, zc_hbm,
             sums_out, cnt_out,
             pidx_v, idx_v, bufs, ones_v, acc_s, acc_c, gsem, ssem, csem):
        c = lax.axis_index("c")
        s = lax.axis_index("s")
        wid = c * NS + s
        nk = jnp.where(wid < NFULL, NKMAX, NKMAX - 1)

        pltpu.sync_copy(zs_hbm, acc_s.at[pl.ds(s * ARS, ARS)])
        pltpu.sync_copy(zc_hbm, acc_c.at[pl.ds(s * RS, RS)])
        pltpu.sync_copy(pidx_hbm.at[wid], pidx_v)
        pltpu.sync_copy(b3_hbm.at[wid], idx_v)
        pltpu.sync_copy(ones_hbm, ones_v)
        plsc.subcore_barrier()

        def start_gather(j, b):
            p0 = (j * NW + wid) * PIECES
            pltpu.async_copy(xp_hbm.at[pl.ds(p0, PIECES)],
                             bufs.at[b], gsem.at[b])

        for j0 in range(NBUF - 2):
            start_gather(j0, j0)

        def chunk_body(k, carry):
            b = lax.rem(k, NBUF)
            pltpu.make_async_copy(xp_hbm.at[pl.ds(0, PIECES)],
                                  bufs.at[b], gsem.at[b]).wait()
            for h in range(2):
                pltpu.async_copy(bufs.at[b, pl.ds(h * HALF, HALF)],
                                 acc_s.at[pidx_v.at[k, h]], ssem.at[b],
                                 add=True)
            pltpu.async_copy(ones_v, acc_c.at[idx_v.at[k]], csem.at[b],
                             add=True)
            j = k + (NBUF - 2)
            bj = lax.rem(j, NBUF)

            @pl.when(j < nk)
            def _():
                @pl.when(j >= NBUF)
                def _():
                    for h in range(2):
                        pltpu.make_async_copy(
                            bufs.at[bj, pl.ds(h * HALF, HALF)],
                            acc_s.at[pidx_v.at[0, 0]], ssem.at[bj]).wait()
                    pltpu.make_async_copy(ones_v, acc_c.at[idx_v.at[0]],
                                          csem.at[bj]).wait()
                start_gather(j, bj)

            return carry

        lax.fori_loop(0, nk, chunk_body, 0)
        for b in range(NBUF):
            for h in range(2):
                pltpu.make_async_copy(bufs.at[b, pl.ds(h * HALF, HALF)],
                                      acc_s.at[pidx_v.at[0, 0]],
                                      ssem.at[b]).wait()
            pltpu.make_async_copy(ones_v, acc_c.at[idx_v.at[0]],
                                  csem.at[b]).wait()
        plsc.subcore_barrier()

        pltpu.sync_copy(acc_s.at[pl.ds(s * ARS, ARS)],
                        sums_out.at[c, pl.ds(s * ARS, ARS)])
        pltpu.sync_copy(acc_c.at[pl.ds(s * RS, RS)],
                        cnt_out.at[c, pl.ds(s * RS, RS)])

    return body(xp, pidx3, batch3, ones, zsum, zcnt)


def _tc_head(sums2, cnt2, W1, b1r, W2, b2r):
    def body(s_ref, c_ref, w1_ref, b1_ref, w2_ref, b2_ref, out_ref):
        sums = s_ref[0] + s_ref[1]
        cnt = c_ref[0, :, 0:1] + c_ref[1, :, 0:1]
        pooled = sums / jnp.clip(cnt, 1.0, None)
        h = lax.dot_general(
            pooled, w1_ref[...],
            dimension_numbers=(((1,), (1,)), ((), ())),
            preferred_element_type=jnp.float32,
            precision=lax.Precision.HIGHEST)
        h = jnp.maximum(h + b1_ref[...], 0.0)
        o = lax.dot_general(
            h, w2_ref[...],
            dimension_numbers=(((1,), (1,)), ((), ())),
            preferred_element_type=jnp.float32,
            precision=lax.Precision.HIGHEST)
        out_ref[...] = o[:, 0:1] + b2_ref[0, 0]

    return pl.pallas_call(
        body,
        in_specs=[
            pl.BlockSpec(memory_space=pltpu.VMEM),
            pl.BlockSpec(memory_space=pltpu.VMEM),
            pl.BlockSpec(memory_space=pltpu.VMEM),
            pl.BlockSpec(memory_space=pltpu.VMEM),
            pl.BlockSpec(memory_space=pltpu.VMEM),
            pl.BlockSpec(memory_space=pltpu.SMEM),
        ],
        out_shape=jax.ShapeDtypeStruct((NSEG, 1), jnp.float32),
    )(sums2, cnt2, W1, b1r, W2, b2r)


@jax.jit
def kernel(x, batch, W1, b1, W2, b2):
    xp = (x.reshape(NROWS // 8, 8, CT, LANES)
          .transpose(0, 2, 1, 3)
          .reshape(NPIECE, LANES))
    ids = batch.astype(jnp.int32)
    b2g = ids.reshape(NROWS // 8, 8)
    pidx = (b2g[:, None, :] * CT
            + jnp.arange(CT, dtype=jnp.int32)[None, :, None])
    pidx = pidx.reshape(NCH, PIECES)
    pidx = jnp.pad(pidx, ((0, NW * NKMAX - NCH), (0, 0)))
    pidx3 = pidx.reshape(NKMAX, NW, 2, HALF).transpose(1, 0, 2, 3)
    ids2 = jnp.pad(ids.reshape(NCH, CHUNK), ((0, NW * NKMAX - NCH), (0, 0)))
    batch3 = ids2.reshape(NKMAX, NW, CHUNK).transpose(1, 0, 2)
    ones = jnp.ones((CHUNK, CW), jnp.float32)
    zs = jnp.zeros((ARS, LANES), jnp.float32)
    zc = jnp.zeros((RS, CW), jnp.float32)
    sums2, cnt2 = _sc_segment_sum(xp, pidx3, batch3, ones, zs, zc)
    sums2 = sums2.reshape(NC, NSEG, D)
    W2p = jnp.pad(W2, ((0, 7), (0, 0)))
    out = _tc_head(sums2, cnt2, W1, b1.reshape(1, 128), W2p, b2.reshape(1, 1))
    return out[:, 0]

# --- scband reference (transcript-rebuilt; emitter-appended) ---
"""Pipeline reference for scband-bertclassifier-from-embeddings-41180146434142 (READ-ONLY COPY).

The authoritative reference and input builder live on the scoring server;
editing this copy changes nothing except your own understanding.
"""

import jax, jax.numpy as jnp
import numpy as np

NUM_SEGMENTS = 256

def setup_inputs(seed: int = 0) -> dict:
    key = jax.random.key(seed)
    k1, k2, k3, k4, k5, k6 = jax.random.split(key, 6)
    x = jax.random.normal(k1, (100000, 768), dtype=jnp.float32)
    batch = jnp.sort(jax.random.randint(k2, (100000,), 0, NUM_SEGMENTS, dtype=jnp.int64))
    W1 = jax.random.normal(k3, (128, 768), dtype=jnp.float32) * 0.02
    b1 = jnp.zeros((128,), dtype=jnp.float32)
    W2 = jax.random.normal(k4, (1, 128), dtype=jnp.float32) * 0.02
    b2 = jnp.zeros((1,), dtype=jnp.float32)
    return {"x": x, "batch": batch, "W1": W1, "b1": b1, "W2": W2, "b2": b2}

def reference(x, batch, W1, b1, W2, b2):
    # global_mean_pool: segment mean over graphs
    sums = jax.ops.segment_sum(x, batch, num_segments=NUM_SEGMENTS)
    counts = jax.ops.segment_sum(jnp.ones((x.shape[0],), dtype=x.dtype), batch, num_segments=NUM_SEGMENTS)
    pooled = sums / jnp.clip(counts, 1.0, None)[:, None]
    # fc1 + relu (dropout is identity in eval)
    h = jax.nn.relu(pooled @ W1.T + b1)
    out = h @ W2.T + b2
    return jnp.squeeze(out)

if __name__ == "__main__":
    import jax
    _d = setup_inputs()
    print(jax.jit(kernel)(*tuple(_d.values())))

</pallas_src>

<mosaic_0001>
#map = affine_map<(d0, d1) -> (0, 0)>
#map1 = affine_map<(d0, d1) -> (0, 0, 0, 0)>
#map2 = affine_map<(d0, d1) -> (0, 0, 0)>
module attributes {stable_mosaic.version = 14 : i64} {
  func.func @body(%arg0: i32, %arg1: i32, %arg2: memref<600000x128xf32, #tpu.memory_space<hbm>>, %arg3: memref<32x98x2x96xi32, #tpu.memory_space<hbm>>, %arg4: memref<32x98x32xi32, #tpu.memory_space<hbm>>, %arg5: memref<32x16xf32, #tpu.memory_space<hbm>>, %arg6: memref<96x128xf32, #tpu.memory_space<hbm>>, %arg7: memref<16x16xf32, #tpu.memory_space<hbm>>, %arg8: memref<2x1536x128xf32, #tpu.memory_space<hbm>>, %arg9: memref<2x256x16xf32, #tpu.memory_space<hbm>>, %arg10: memref<98x2x96xi32, #tpu.memory_space<vmem>>, %arg11: memref<98x32xi32, #tpu.memory_space<vmem>>, %arg12: memref<3x192x128xf32, #tpu.memory_space<vmem>>, %arg13: memref<32x16xf32, #tpu.memory_space<vmem>>, %arg14: memref<1536x128xf32, #tpu.memory_space<vmem_shared>>, %arg15: memref<256x16xf32, #tpu.memory_space<vmem_shared>>, %arg16: memref<3x!tpu.dma_semaphore, #tpu.memory_space<semaphore_mem>>, %arg17: memref<3x!tpu.dma_semaphore, #tpu.memory_space<semaphore_mem>>, %arg18: memref<3x!tpu.dma_semaphore, #tpu.memory_space<semaphore_mem>>) attributes {dimension_semantics = [#tpu.dimension_semantics<core_parallel>, #tpu.dimension_semantics<subcore_parallel>], iteration_bounds = array<i64: 2, 16>, scalar_prefetch = 0 : i64, scratch_operands = 9 : i64, tpu.core_type = #tpu.core_type<sc_vector_subcore>, window_params = [{transform_indices = #map}, {transform_indices = #map1}, {transform_indices = #map2}, {transform_indices = #map}, {transform_indices = #map}, {transform_indices = #map}, {transform_indices = #map2}, {transform_indices = #map2}]} {
    %mul3A = arith.constant 16 : i32
    %mul3A_0 = arith.muli %arg0, %mul3A : i32
    %add3A = arith.addi %mul3A_0, %arg1 : i32
    %lt3A = arith.constant 21 : i32
    %lt3A_1 = arith.cmpi slt, %add3A, %lt3A : i32
    %jit3A = arith.constant 98 : i32
    %jit3A_2 = arith.constant 97 : i32
    %select_n3A = arith.select %lt3A_1, %jit3A, %jit3A_2 : i32
    %mul3A_3 = arith.constant 96 : i32
    %mul3A_4 = arith.muli %arg1, %mul3A_3 : i32
    "tpu.region"() ({
      %run_scoped3A = tpu.sem_alloc : memref<!tpu.dma_semaphore, #tpu.memory_space<semaphore_mem>>
      %dma_start3A_169 = arith.constant 0 : i32
      %dma_start3A_170 = tpu.memref_slice %arg14[%mul3A_4, %dma_start3A_169] : memref<1536x128xf32, #tpu.memory_space<vmem_shared>> -> memref<96x128xf32, #tpu.memory_space<vmem_shared>>
      tpu.enqueue_dma source(%arg6 : memref<96x128xf32, #tpu.memory_space<hbm>>) target(%dma_start3A_170 : memref<96x128xf32, #tpu.memory_space<vmem_shared>>) target_semaphore(%run_scoped3A : memref<!tpu.dma_semaphore, #tpu.memory_space<semaphore_mem>>)
      %dma_wait3A_171 = arith.constant 0 : i32
      %dma_wait3A_172 = tpu.memref_slice %arg14[%mul3A_4, %dma_wait3A_171] : memref<1536x128xf32, #tpu.memory_space<vmem_shared>> -> memref<96x128xf32, #tpu.memory_space<vmem_shared>>
      tpu.wait_dma2 semaphore(%run_scoped3A : memref<!tpu.dma_semaphore, #tpu.memory_space<semaphore_mem>>) src(%arg6 : memref<96x128xf32, #tpu.memory_space<hbm>>) dst(%dma_wait3A_172 : memref<96x128xf32, #tpu.memory_space<vmem_shared>>)
      tpu.yield
    }) : () -> ()
    %mul3A_5 = arith.constant 16 : i32
    %mul3A_6 = arith.muli %arg1, %mul3A_5 : i32
    "tpu.region"() ({
      %run_scoped3A = tpu.sem_alloc : memref<!tpu.dma_semaphore, #tpu.memory_space<semaphore_mem>>
      %dma_start3A_169 = arith.constant 0 : i32
      %dma_start3A_170 = tpu.memref_slice %arg15[%mul3A_6, %dma_start3A_169] : memref<256x16xf32, #tpu.memory_space<vmem_shared>> -> memref<16x16xf32, #tpu.memory_space<vmem_shared>>
      tpu.enqueue_dma source(%arg7 : memref<16x16xf32, #tpu.memory_space<hbm>>) target(%dma_start3A_170 : memref<16x16xf32, #tpu.memory_space<vmem_shared>>) target_semaphore(%run_scoped3A : memref<!tpu.dma_semaphore, #tpu.memory_space<semaphore_mem>>)
      %dma_wait3A_171 = arith.constant 0 : i32
      %dma_wait3A_172 = tpu.memref_slice %arg15[%mul3A_6, %dma_wait3A_171] : memref<256x16xf32, #tpu.memory_space<vmem_shared>> -> memref<16x16xf32, #tpu.memory_space<vmem_shared>>
      tpu.wait_dma2 semaphore(%run_scoped3A : memref<!tpu.dma_semaphore, #tpu.memory_space<semaphore_mem>>) src(%arg7 : memref<16x16xf32, #tpu.memory_space<hbm>>) dst(%dma_wait3A_172 : memref<16x16xf32, #tpu.memory_space<vmem_shared>>)
      tpu.yield
    }) : () -> ()
    "tpu.region"() ({
      %run_scoped3A = tpu.sem_alloc : memref<!tpu.dma_semaphore, #tpu.memory_space<semaphore_mem>>
      %dma_start3A_169 = arith.constant 0 : i32
      %dma_start3A_170 = arith.constant 0 : i32
      %dma_start3A_171 = arith.constant 0 : i32
      %dma_start3A_172 = tpu.memref_slice %arg3[%add3A, %dma_start3A_169, %dma_start3A_170, %dma_start3A_171] : memref<32x98x2x96xi32, #tpu.memory_space<hbm>> -> memref<1x98x2x96xi32, #tpu.memory_space<hbm>>
      %dma_start3A_173 = tpu.memref_squeeze %dma_start3A_172 : memref<1x98x2x96xi32, #tpu.memory_space<hbm>> -> memref<98x2x96xi32, #tpu.memory_space<hbm>>
      %dma_start3A_174 = arith.constant 0 : i32
      %dma_start3A_175 = arith.constant 0 : i32
      %dma_start3A_176 = arith.constant 0 : i32
      %dma_start3A_177 = tpu.memref_slice %arg3[%add3A, %dma_start3A_174, %dma_start3A_175, %dma_start3A_176] : memref<32x98x2x96xi32, #tpu.memory_space<hbm>> -> memref<1x98x2x96xi32, #tpu.memory_space<hbm>>
      %dma_start3A_178 = tpu.memref_squeeze %dma_start3A_177 : memref<1x98x2x96xi32, #tpu.memory_space<hbm>> -> memref<98x2x96xi32, #tpu.memory_space<hbm>>
      tpu.enqueue_dma source(%dma_start3A_178 : memref<98x2x96xi32, #tpu.memory_space<hbm>>) target(%arg10 : memref<98x2x96xi32, #tpu.memory_space<vmem>>) target_semaphore(%run_scoped3A : memref<!tpu.dma_semaphore, #tpu.memory_space<semaphore_mem>>)
      %dma_wait3A_179 = arith.constant 0 : i32
      %dma_wait3A_180 = arith.constant 0 : i32
      %dma_wait3A_181 = arith.constant 0 : i32
      %dma_wait3A_182 = tpu.memref_slice %arg3[%add3A, %dma_wait3A_179, %dma_wait3A_180, %dma_wait3A_181] : memref<32x98x2x96xi32, #tpu.memory_space<hbm>> -> memref<1x98x2x96xi32, #tpu.memory_space<hbm>>
      %dma_wait3A_183 = tpu.memref_squeeze %dma_wait3A_182 : memref<1x98x2x96xi32, #tpu.memory_space<hbm>> -> memref<98x2x96xi32, #tpu.memory_space<hbm>>
      %dma_wait3A_184 = arith.constant 0 : i32
      %dma_wait3A_185 = arith.constant 0 : i32
      %dma_wait3A_186 = arith.constant 0 : i32
      %dma_wait3A_187 = tpu.memref_slice %arg3[%add3A, %dma_wait3A_184, %dma_wait3A_185, %dma_wait3A_186] : memref<32x98x2x96xi32, #tpu.memory_space<hbm>> -> memref<1x98x2x96xi32, #tpu.memory_space<hbm>>
      %dma_wait3A_188 = tpu.memref_squeeze %dma_wait3A_187 : memref<1x98x2x96xi32, #tpu.memory_space<hbm>> -> memref<98x2x96xi32, #tpu.memory_space<hbm>>
      tpu.wait_dma2 semaphore(%run_scoped3A : memref<!tpu.dma_semaphore, #tpu.memory_space<semaphore_mem>>) src(%dma_wait3A_188 : memref<98x2x96xi32, #tpu.memory_space<hbm>>) dst(%arg10 : memref<98x2x96xi32, #tpu.memory_space<vmem>>)
      tpu.yield
    }) : () -> ()
    "tpu.region"() ({
      %run_scoped3A = tpu.sem_alloc : memref<!tpu.dma_semaphore, #tpu.memory_space<semaphore_mem>>
      %dma_start3A_169 = arith.constant 0 : i32
      %dma_start3A_170 = arith.constant 0 : i32
      %dma_start3A_171 = tpu.memref_slice %arg4[%add3A, %dma_start3A_169, %dma_start3A_170] : memref<32x98x32xi32, #tpu.memory_space<hbm>> -> memref<1x98x32xi32, #tpu.memory_space<hbm>>
      %dma_start3A_172 = tpu.memref_squeeze %dma_start3A_171 : memref<1x98x32xi32, #tpu.memory_space<hbm>> -> memref<98x32xi32, #tpu.memory_space<hbm>>
      %dma_start3A_173 = arith.constant 0 : i32
      %dma_start3A_174 = arith.constant 0 : i32
      %dma_start3A_175 = tpu.memref_slice %arg4[%add3A, %dma_start3A_173, %dma_start3A_174] : memref<32x98x32xi32, #tpu.memory_space<hbm>> -> memref<1x98x32xi32, #tpu.memory_space<hbm>>
      %dma_start3A_176 = tpu.memref_squeeze %dma_start3A_175 : memref<1x98x32xi32, #tpu.memory_space<hbm>> -> memref<98x32xi32, #tpu.memory_space<hbm>>
      tpu.enqueue_dma source(%dma_start3A_176 : memref<98x32xi32, #tpu.memory_space<hbm>>) target(%arg11 : memref<98x32xi32, #tpu.memory_space<vmem>>) target_semaphore(%run_scoped3A : memref<!tpu.dma_semaphore, #tpu.memory_space<semaphore_mem>>)
      %dma_wait3A_177 = arith.constant 0 : i32
      %dma_wait3A_178 = arith.constant 0 : i32
      %dma_wait3A_179 = tpu.memref_slice %arg4[%add3A, %dma_wait3A_177, %dma_wait3A_178] : memref<32x98x32xi32, #tpu.memory_space<hbm>> -> memref<1x98x32xi32, #tpu.memory_space<hbm>>
      %dma_wait3A_180 = tpu.memref_squeeze %dma_wait3A_179 : memref<1x98x32xi32, #tpu.memory_space<hbm>> -> memref<98x32xi32, #tpu.memory_space<hbm>>
      %dma_wait3A_181 = arith.constant 0 : i32
      %dma_wait3A_182 = arith.constant 0 : i32
      %dma_wait3A_183 = tpu.memref_slice %arg4[%add3A, %dma_wait3A_181, %dma_wait3A_182] : memref<32x98x32xi32, #tpu.memory_space<hbm>> -> memref<1x98x32xi32, #tpu.memory_space<hbm>>
      %dma_wait3A_184 = tpu.memref_squeeze %dma_wait3A_183 : memref<1x98x32xi32, #tpu.memory_space<hbm>> -> memref<98x32xi32, #tpu.memory_space<hbm>>
      tpu.wait_dma2 semaphore(%run_scoped3A : memref<!tpu.dma_semaphore, #tpu.memory_space<semaphore_mem>>) src(%dma_wait3A_184 : memref<98x32xi32, #tpu.memory_space<hbm>>) dst(%arg11 : memref<98x32xi32, #tpu.memory_space<vmem>>)
      tpu.yield
    }) : () -> ()
    "tpu.region"() ({
      %run_scoped3A = tpu.sem_alloc : memref<!tpu.dma_semaphore, #tpu.memory_space<semaphore_mem>>
      tpu.enqueue_dma source(%arg5 : memref<32x16xf32, #tpu.memory_space<hbm>>) target(%arg13 : memref<32x16xf32, #tpu.memory_space<vmem>>) target_semaphore(%run_scoped3A : memref<!tpu.dma_semaphore, #tpu.memory_space<semaphore_mem>>)
      tpu.wait_dma2 semaphore(%run_scoped3A : memref<!tpu.dma_semaphore, #tpu.memory_space<semaphore_mem>>) src(%arg5 : memref<32x16xf32, #tpu.memory_space<hbm>>) dst(%arg13 : memref<32x16xf32, #tpu.memory_space<vmem>>)
      tpu.yield
    }) : () -> ()
    %barrier3A = arith.constant 0 : index
    tpu.barrier barrier_id(%barrier3A)
    %add3A_7 = arith.constant 0 : i32
    %add3A_8 = arith.addi %add3A_7, %add3A : i32
    %mul3A_9 = arith.constant 192 : i32
    %mul3A_10 = arith.muli %add3A_8, %mul3A_9 : i32
    %dma_start3A = arith.constant 0 : i32
    %dma_start3A_11 = arith.constant 0 : i32
    %dma_start3A_12 = arith.constant 0 : i32
    %dma_start3A_13 = arith.constant 0 : i32
    %dma_start3A_14 = tpu.memref_slice %arg12[%dma_start3A, %dma_start3A_12, %dma_start3A_13] : memref<3x192x128xf32, #tpu.memory_space<vmem>> -> memref<1x192x128xf32, #tpu.memory_space<vmem>>
    %dma_start3A_15 = tpu.memref_squeeze %dma_start3A_14 : memref<1x192x128xf32, #tpu.memory_space<vmem>> -> memref<192x128xf32, #tpu.memory_space<vmem>>
    %dma_start3A_16 = arith.constant 0 : i32
    %dma_start3A_17 = tpu.memref_slice %arg2[%mul3A_10, %dma_start3A_16] : memref<600000x128xf32, #tpu.memory_space<hbm>> -> memref<192x128xf32, #tpu.memory_space<hbm>>
    %dma_start3A_18 = tpu.memref_slice %arg16[%dma_start3A_11] : memref<3x!tpu.dma_semaphore, #tpu.memory_space<semaphore_mem>> -> memref<1x!tpu.dma_semaphore, #tpu.memory_space<semaphore_mem>>
    %dma_start3A_19 = tpu.memref_squeeze %dma_start3A_18 : memref<1x!tpu.dma_semaphore, #tpu.memory_space<semaphore_mem>> -> memref<!tpu.dma_semaphore, #tpu.memory_space<semaphore_mem>>
    %dma_start3A_20 = arith.constant 0 : i32
    %dma_start3A_21 = arith.constant 0 : i32
    %dma_start3A_22 = tpu.memref_slice %arg12[%dma_start3A, %dma_start3A_20, %dma_start3A_21] : memref<3x192x128xf32, #tpu.memory_space<vmem>> -> memref<1x192x128xf32, #tpu.memory_space<vmem>>
    %dma_start3A_23 = tpu.memref_squeeze %dma_start3A_22 : memref<1x192x128xf32, #tpu.memory_space<vmem>> -> memref<192x128xf32, #tpu.memory_space<vmem>>
    %dma_start3A_24 = arith.constant 0 : i32
    %dma_start3A_25 = tpu.memref_slice %arg2[%mul3A_10, %dma_start3A_24] : memref<600000x128xf32, #tpu.memory_space<hbm>> -> memref<192x128xf32, #tpu.memory_space<hbm>>
    tpu.enqueue_dma source(%dma_start3A_25 : memref<192x128xf32, #tpu.memory_space<hbm>>) target(%dma_start3A_23 : memref<192x128xf32, #tpu.memory_space<vmem>>) target_semaphore(%dma_start3A_19 : memref<!tpu.dma_semaphore, #tpu.memory_space<semaphore_mem>>)
    %while3A = arith.constant 0 : i32
    %while3A_26 = arith.constant 0 : i32
    %while3A_27 = arith.subi %select_n3A, %while3A_26 : i32
    %while3A_28 = arith.addi %while3A_26, %while3A_27 : i32
    %while3A_29 = arith.constant 1 : i32
    %while3A_30 = arith.divsi %while3A_27, %while3A_29 : i32
    %while3A_31 = arith.muli %while3A_30, %while3A_29 : i32
    %while3A_32 = arith.addi %while3A_26, %while3A_31 : i32
    %while3A_33 = arith.constant 1 : i32
    scf.for %while3A_169 = %while3A_26 to %while3A_32 step %while3A_33  : i32 {
      %rem3A = arith.constant 3 : i32
      %rem3A_170 = arith.remsi %while3A_169, %rem3A : i32
      %dma_wait3A_171 = arith.constant 0 : i32
      %dma_wait3A_172 = arith.constant 0 : i32
      %dma_wait3A_173 = tpu.memref_slice %arg12[%rem3A_170, %dma_wait3A_171, %dma_wait3A_172] : memref<3x192x128xf32, #tpu.memory_space<vmem>> -> memref<1x192x128xf32, #tpu.memory_space<vmem>>
      %dma_wait3A_174 = tpu.memref_squeeze %dma_wait3A_173 : memref<1x192x128xf32, #tpu.memory_space<vmem>> -> memref<192x128xf32, #tpu.memory_space<vmem>>
      %dma_wait3A_175 = arith.constant 0 : i32
      %dma_wait3A_176 = arith.constant 0 : i32
      %dma_wait3A_177 = tpu.memref_slice %arg2[%dma_wait3A_175, %dma_wait3A_176] : memref<600000x128xf32, #tpu.memory_space<hbm>> -> memref<192x128xf32, #tpu.memory_space<hbm>>
      %dma_wait3A_178 = tpu.memref_slice %arg16[%rem3A_170] : memref<3x!tpu.dma_semaphore, #tpu.memory_space<semaphore_mem>> -> memref<1x!tpu.dma_semaphore, #tpu.memory_space<semaphore_mem>>
      %dma_wait3A_179 = tpu.memref_squeeze %dma_wait3A_178 : memref<1x!tpu.dma_semaphore, #tpu.memory_space<semaphore_mem>> -> memref<!tpu.dma_semaphore, #tpu.memory_space<semaphore_mem>>
      %dma_wait3A_180 = arith.constant 0 : i32
      %dma_wait3A_181 = arith.constant 0 : i32
      %dma_wait3A_182 = tpu.memref_slice %arg12[%rem3A_170, %dma_wait3A_180, %dma_wait3A_181] : memref<3x192x128xf32, #tpu.memory_space<vmem>> -> memref<1x192x128xf32, #tpu.memory_space<vmem>>
      %dma_wait3A_183 = tpu.memref_squeeze %dma_wait3A_182 : memref<1x192x128xf32, #tpu.memory_space<vmem>> -> memref<192x128xf32, #tpu.memory_space<vmem>>
      %dma_wait3A_184 = arith.constant 0 : i32
      %dma_wait3A_185 = arith.constant 0 : i32
      %dma_wait3A_186 = tpu.memref_slice %arg2[%dma_wait3A_184, %dma_wait3A_185] : memref<600000x128xf32, #tpu.memory_space<hbm>> -> memref<192x128xf32, #tpu.memory_space<hbm>>
      tpu.wait_dma2 semaphore(%dma_wait3A_179 : memref<!tpu.dma_semaphore, #tpu.memory_space<semaphore_mem>>) src(%dma_wait3A_186 : memref<192x128xf32, #tpu.memory_space<hbm>>) dst(%dma_wait3A_183 : memref<192x128xf32, #tpu.memory_space<vmem>>)
      %dma_start3A_187 = arith.constant 0 : i32
      %dma_start3A_188 = arith.constant 0 : i32
      %dma_start3A_189 = arith.constant 0 : i32
      %dma_start3A_190 = tpu.memref_slice %arg12[%rem3A_170, %dma_start3A_188, %dma_start3A_189] : memref<3x192x128xf32, #tpu.memory_space<vmem>> -> memref<1x96x128xf32, #tpu.memory_space<vmem>>
      %dma_start3A_191 = tpu.memref_squeeze %dma_start3A_190 : memref<1x96x128xf32, #tpu.memory_space<vmem>> -> memref<96x128xf32, #tpu.memory_space<vmem>>
      %dma_start3A_192 = arith.constant 0 : i32
      %dma_start3A_193 = tpu.memref_slice %arg10[%while3A_169, %dma_start3A_187, %dma_start3A_192] : memref<98x2x96xi32, #tpu.memory_space<vmem>> -> memref<1x1x96xi32, #tpu.memory_space<vmem>>
      %dma_start3A_194 = tpu.memref_squeeze %dma_start3A_193 : memref<1x1x96xi32, #tpu.memory_space<vmem>> -> memref<96xi32, #tpu.memory_space<vmem>>
      %dma_start3A_195 = arith.constant 0 : i32
      %dma_start3A_196 = arith.constant 0 : i32
      %dma_start3A_197 = tpu.memref_slice %arg14[%dma_start3A_195, %dma_start3A_196] : memref<1536x128xf32, #tpu.memory_space<vmem_shared>> -> memref<1536x128xf32, #tpu.memory_space<vmem_shared>>
      %dma_start3A_198 = tpu.memref_slice %arg17[%rem3A_170] : memref<3x!tpu.dma_semaphore, #tpu.memory_space<semaphore_mem>> -> memref<1x!tpu.dma_semaphore, #tpu.memory_space<semaphore_mem>>
      %dma_start3A_199 = tpu.memref_squeeze %dma_start3A_198 : memref<1x!tpu.dma_semaphore, #tpu.memory_space<semaphore_mem>> -> memref<!tpu.dma_semaphore, #tpu.memory_space<semaphore_mem>>
      tpu.enqueue_indirect_dma source(%dma_start3A_191 : memref<96x128xf32, #tpu.memory_space<vmem>>) target(%dma_start3A_197 : memref<1536x128xf32, #tpu.memory_space<vmem_shared>>) offsets(%dma_start3A_194 : memref<96xi32, #tpu.memory_space<vmem>>) semaphore(%dma_start3A_199 : memref<!tpu.dma_semaphore, #tpu.memory_space<semaphore_mem>>) {add = true}
      %dma_start3A_200 = arith.constant 1 : i32
      %dma_start3A_201 = arith.constant 96 : i32
      %dma_start3A_202 = arith.constant 0 : i32
      %dma_start3A_203 = tpu.memref_slice %arg12[%rem3A_170, %dma_start3A_201, %dma_start3A_202] : memref<3x192x128xf32, #tpu.memory_space<vmem>> -> memref<1x96x128xf32, #tpu.memory_space<vmem>>
      %dma_start3A_204 = tpu.memref_squeeze %dma_start3A_203 : memref<1x96x128xf32, #tpu.memory_space<vmem>> -> memref<96x128xf32, #tpu.memory_space<vmem>>
      %dma_start3A_205 = arith.constant 0 : i32
      %dma_start3A_206 = tpu.memref_slice %arg10[%while3A_169, %dma_start3A_200, %dma_start3A_205] : memref<98x2x96xi32, #tpu.memory_space<vmem>> -> memref<1x1x96xi32, #tpu.memory_space<vmem>>
      %dma_start3A_207 = tpu.memref_squeeze %dma_start3A_206 : memref<1x1x96xi32, #tpu.memory_space<vmem>> -> memref<96xi32, #tpu.memory_space<vmem>>
      %dma_start3A_208 = arith.constant 0 : i32
      %dma_start3A_209 = arith.constant 0 : i32
      %dma_start3A_210 = tpu.memref_slice %arg14[%dma_start3A_208, %dma_start3A_209] : memref<1536x128xf32, #tpu.memory_space<vmem_shared>> -> memref<1536x128xf32, #tpu.memory_space<vmem_shared>>
      %dma_start3A_211 = tpu.memref_slice %arg17[%rem3A_170] : memref<3x!tpu.dma_semaphore, #tpu.memory_space<semaphore_mem>> -> memref<1x!tpu.dma_semaphore, #tpu.memory_space<semaphore_mem>>
      %dma_start3A_212 = tpu.memref_squeeze %dma_start3A_211 : memref<1x!tpu.dma_semaphore, #tpu.memory_space<semaphore_mem>> -> memref<!tpu.dma_semaphore, #tpu.memory_space<semaphore_mem>>
      tpu.enqueue_indirect_dma source(%dma_start3A_204 : memref<96x128xf32, #tpu.memory_space<vmem>>) target(%dma_start3A_210 : memref<1536x128xf32, #tpu.memory_space<vmem_shared>>) offsets(%dma_start3A_207 : memref<96xi32, #tpu.memory_space<vmem>>) semaphore(%dma_start3A_212 : memref<!tpu.dma_semaphore, #tpu.memory_space<semaphore_mem>>) {add = true}
      %dma_start3A_213 = arith.constant 0 : i32
      %dma_start3A_214 = tpu.memref_slice %arg11[%while3A_169, %dma_start3A_213] : memref<98x32xi32, #tpu.memory_space<vmem>> -> memref<1x32xi32, #tpu.memory_space<vmem>>
      %dma_start3A_215 = tpu.memref_squeeze %dma_start3A_214 : memref<1x32xi32, #tpu.memory_space<vmem>> -> memref<32xi32, #tpu.memory_space<vmem>>
      %dma_start3A_216 = arith.constant 0 : i32
      %dma_start3A_217 = arith.constant 0 : i32
      %dma_start3A_218 = tpu.memref_slice %arg15[%dma_start3A_216, %dma_start3A_217] : memref<256x16xf32, #tpu.memory_space<vmem_shared>> -> memref<256x16xf32, #tpu.memory_space<vmem_shared>>
      %dma_start3A_219 = tpu.memref_slice %arg18[%rem3A_170] : memref<3x!tpu.dma_semaphore, #tpu.memory_space<semaphore_mem>> -> memref<1x!tpu.dma_semaphore, #tpu.memory_space<semaphore_mem>>
      %dma_start3A_220 = tpu.memref_squeeze %dma_start3A_219 : memref<1x!tpu.dma_semaphore, #tpu.memory_space<semaphore_mem>> -> memref<!tpu.dma_semaphore, #tpu.memory_space<semaphore_mem>>
      tpu.enqueue_indirect_dma source(%arg13 : memref<32x16xf32, #tpu.memory_space<vmem>>) target(%dma_start3A_218 : memref<256x16xf32, #tpu.memory_space<vmem_shared>>) offsets(%dma_start3A_215 : memref<32xi32, #tpu.memory_space<vmem>>) semaphore(%dma_start3A_220 : memref<!tpu.dma_semaphore, #tpu.memory_space<semaphore_mem>>) {add = true}
      %add3A_221 = arith.constant 1 : i32
      %add3A_222 = arith.addi %while3A_169, %add3A_221 : i32
      %rem3A_223 = arith.constant 3 : i32
      %rem3A_224 = arith.remsi %add3A_222, %rem3A_223 : i32
      %lt3A_225 = arith.cmpi slt, %add3A_222, %select_n3A : i32
      %convert_element_type3A = arith.extui %lt3A_225 : i1 to i32
      %cond3A = arith.constant 0 : i32
      %cond3A_226 = arith.cmpi ne, %convert_element_type3A, %cond3A : i32
      scf.if %cond3A_226 {
        %ge3A = arith.constant 3 : i32
        %ge3A_227 = arith.cmpi sge, %add3A_222, %ge3A : i32
        %convert_element_type3A_228 = arith.extui %ge3A_227 : i1 to i32
        %cond3A_229 = arith.constant 0 : i32
        %cond3A_230 = arith.cmpi ne, %convert_element_type3A_228, %cond3A_229 : i32
        scf.if %cond3A_230 {
          %dma_wait3A_250 = arith.constant 0 : i32
          %dma_wait3A_251 = arith.constant 0 : i32
          %dma_wait3A_252 = arith.constant 0 : i32
          %dma_wait3A_253 = arith.constant 0 : i32
          %dma_wait3A_254 = tpu.memref_slice %arg12[%rem3A_224, %dma_wait3A_252, %dma_wait3A_253] : memref<3x192x128xf32, #tpu.memory_space<vmem>> -> memref<1x96x128xf32, #tpu.memory_space<vmem>>
          %dma_wait3A_255 = tpu.memref_squeeze %dma_wait3A_254 : memref<1x96x128xf32, #tpu.memory_space<vmem>> -> memref<96x128xf32, #tpu.memory_space<vmem>>
          %dma_wait3A_256 = arith.constant 0 : i32
          %dma_wait3A_257 = tpu.memref_slice %arg10[%dma_wait3A_250, %dma_wait3A_251, %dma_wait3A_256] : memref<98x2x96xi32, #tpu.memory_space<vmem>> -> memref<1x1x96xi32, #tpu.memory_space<vmem>>
          %dma_wait3A_258 = tpu.memref_squeeze %dma_wait3A_257 : memref<1x1x96xi32, #tpu.memory_space<vmem>> -> memref<96xi32, #tpu.memory_space<vmem>>
          %dma_wait3A_259 = arith.constant 0 : i32
          %dma_wait3A_260 = arith.constant 0 : i32
          %dma_wait3A_261 = tpu.memref_slice %arg14[%dma_wait3A_259, %dma_wait3A_260] : memref<1536x128xf32, #tpu.memory_space<vmem_shared>> -> memref<1536x128xf32, #tpu.memory_space<vmem_shared>>
          %dma_wait3A_262 = tpu.memref_slice %arg17[%rem3A_224] : memref<3x!tpu.dma_semaphore, #tpu.memory_space<semaphore_mem>> -> memref<1x!tpu.dma_semaphore, #tpu.memory_space<semaphore_mem>>
          %dma_wait3A_263 = tpu.memref_squeeze %dma_wait3A_262 : memref<1x!tpu.dma_semaphore, #tpu.memory_space<semaphore_mem>> -> memref<!tpu.dma_semaphore, #tpu.memory_space<semaphore_mem>>
          tpu.wait_indirect_dma semaphore(%dma_wait3A_263 : memref<!tpu.dma_semaphore, #tpu.memory_space<semaphore_mem>>) src(%dma_wait3A_255 : memref<96x128xf32, #tpu.memory_space<vmem>>) dst(%dma_wait3A_261 : memref<1536x128xf32, #tpu.memory_space<vmem_shared>>)
          %dma_wait3A_264 = arith.constant 0 : i32
          %dma_wait3A_265 = arith.constant 0 : i32
          %dma_wait3A_266 = arith.constant 96 : i32
          %dma_wait3A_267 = arith.constant 0 : i32
          %dma_wait3A_268 = tpu.memref_slice %arg12[%rem3A_224, %dma_wait3A_266, %dma_wait3A_267] : memref<3x192x128xf32, #tpu.memory_space<vmem>> -> memref<1x96x128xf32, #tpu.memory_space<vmem>>
          %dma_wait3A_269 = tpu.memref_squeeze %dma_wait3A_268 : memref<1x96x128xf32, #tpu.memory_space<vmem>> -> memref<96x128xf32, #tpu.memory_space<vmem>>
          %dma_wait3A_270 = arith.constant 0 : i32
          %dma_wait3A_271 = tpu.memref_slice %arg10[%dma_wait3A_264, %dma_wait3A_265, %dma_wait3A_270] : memref<98x2x96xi32, #tpu.memory_space<vmem>> -> memref<1x1x96xi32, #tpu.memory_space<vmem>>
          %dma_wait3A_272 = tpu.memref_squeeze %dma_wait3A_271 : memref<1x1x96xi32, #tpu.memory_space<vmem>> -> memref<96xi32, #tpu.memory_space<vmem>>
          %dma_wait3A_273 = arith.constant 0 : i32
          %dma_wait3A_274 = arith.constant 0 : i32
          %dma_wait3A_275 = tpu.memref_slice %arg14[%dma_wait3A_273, %dma_wait3A_274] : memref<1536x128xf32, #tpu.memory_space<vmem_shared>> -> memref<1536x128xf32, #tpu.memory_space<vmem_shared>>
          %dma_wait3A_276 = tpu.memref_slice %arg17[%rem3A_224] : memref<3x!tpu.dma_semaphore, #tpu.memory_space<semaphore_mem>> -> memref<1x!tpu.dma_semaphore, #tpu.memory_space<semaphore_mem>>
          %dma_wait3A_277 = tpu.memref_squeeze %dma_wait3A_276 : memref<1x!tpu.dma_semaphore, #tpu.memory_space<semaphore_mem>> -> memref<!tpu.dma_semaphore, #tpu.memory_space<semaphore_mem>>
          tpu.wait_indirect_dma semaphore(%dma_wait3A_277 : memref<!tpu.dma_semaphore, #tpu.memory_space<semaphore_mem>>) src(%dma_wait3A_269 : memref<96x128xf32, #tpu.memory_space<vmem>>) dst(%dma_wait3A_275 : memref<1536x128xf32, #tpu.memory_space<vmem_shared>>)
          %dma_wait3A_278 = arith.constant 0 : i32
          %dma_wait3A_279 = arith.constant 0 : i32
          %dma_wait3A_280 = tpu.memref_slice %arg11[%dma_wait3A_278, %dma_wait3A_279] : memref<98x32xi32, #tpu.memory_space<vmem>> -> memref<1x32xi32, #tpu.memory_space<vmem>>
          %dma_wait3A_281 = tpu.memref_squeeze %dma_wait3A_280 : memref<1x32xi32, #tpu.memory_space<vmem>> -> memref<32xi32, #tpu.memory_space<vmem>>
          %dma_wait3A_282 = arith.constant 0 : i32
          %dma_wait3A_283 = arith.constant 0 : i32
          %dma_wait3A_284 = tpu.memref_slice %arg15[%dma_wait3A_282, %dma_wait3A_283] : memref<256x16xf32, #tpu.memory_space<vmem_shared>> -> memref<256x16xf32, #tpu.memory_space<vmem_shared>>
          %dma_wait3A_285 = tpu.memref_slice %arg18[%rem3A_224] : memref<3x!tpu.dma_semaphore, #tpu.memory_space<semaphore_mem>> -> memref<1x!tpu.dma_semaphore, #tpu.memory_space<semaphore_mem>>
          %dma_wait3A_286 = tpu.memref_squeeze %dma_wait3A_285 : memref<1x!tpu.dma_semaphore, #tpu.memory_space<semaphore_mem>> -> memref<!tpu.dma_semaphore, #tpu.memory_space<semaphore_mem>>
          tpu.wait_indirect_dma semaphore(%dma_wait3A_286 : memref<!tpu.dma_semaphore, #tpu.memory_space<semaphore_mem>>) src(%arg13 : memref<32x16xf32, #tpu.memory_space<vmem>>) dst(%dma_wait3A_284 : memref<256x16xf32, #tpu.memory_space<vmem_shared>>)
        } else {
        }
        %mul3A_231 = arith.constant 32 : i32
        %mul3A_232 = arith.muli %add3A_222, %mul3A_231 : i32
        %add3A_233 = arith.addi %mul3A_232, %add3A : i32
        %mul3A_234 = arith.constant 192 : i32
        %mul3A_235 = arith.muli %add3A_233, %mul3A_234 : i32
        %dma_start3A_236 = arith.constant 0 : i32
        %dma_start3A_237 = arith.constant 0 : i32
        %dma_start3A_238 = tpu.memref_slice %arg12[%rem3A_224, %dma_start3A_236, %dma_start3A_237] : memref<3x192x128xf32, #tpu.memory_space<vmem>> -> memref<1x192x128xf32, #tpu.memory_space<vmem>>
        %dma_start3A_239 = tpu.memref_squeeze %dma_start3A_238 : memref<1x192x128xf32, #tpu.memory_space<vmem>> -> memref<192x128xf32, #tpu.memory_space<vmem>>
        %dma_start3A_240 = arith.constant 0 : i32
        %dma_start3A_241 = tpu.memref_slice %arg2[%mul3A_235, %dma_start3A_240] : memref<600000x128xf32, #tpu.memory_space<hbm>> -> memref<192x128xf32, #tpu.memory_space<hbm>>
        %dma_start3A_242 = tpu.memref_slice %arg16[%rem3A_224] : memref<3x!tpu.dma_semaphore, #tpu.memory_space<semaphore_mem>> -> memref<1x!tpu.dma_semaphore, #tpu.memory_space<semaphore_mem>>
        %dma_start3A_243 = tpu.memref_squeeze %dma_start3A_242 : memref<1x!tpu.dma_semaphore, #tpu.memory_space<semaphore_mem>> -> memref<!tpu.dma_semaphore, #tpu.memory_space<semaphore_mem>>
        %dma_start3A_244 = arith.constant 0 : i32
        %dma_start3A_245 = arith.constant 0 : i32
        %dma_start3A_246 = tpu.memref_slice %arg12[%rem3A_224, %dma_start3A_244, %dma_start3A_245] : memref<3x192x128xf32, #tpu.memory_space<vmem>> -> memref<1x192x128xf32, #tpu.memory_space<vmem>>
        %dma_start3A_247 = tpu.memref_squeeze %dma_start3A_246 : memref<1x192x128xf32, #tpu.memory_space<vmem>> -> memref<192x128xf32, #tpu.memory_space<vmem>>
        %dma_start3A_248 = arith.constant 0 : i32
        %dma_start3A_249 = tpu.memref_slice %arg2[%mul3A_235, %dma_start3A_248] : memref<600000x128xf32, #tpu.memory_space<hbm>> -> memref<192x128xf32, #tpu.memory_space<hbm>>
        tpu.enqueue_dma source(%dma_start3A_249 : memref<192x128xf32, #tpu.memory_space<hbm>>) target(%dma_start3A_247 : memref<192x128xf32, #tpu.memory_space<vmem>>) target_semaphore(%dma_start3A_243 : memref<!tpu.dma_semaphore, #tpu.memory_space<semaphore_mem>>)
      } else {
      }
    }
    %while3A_34 = arith.constant 1 : i32
    scf.for %while3A_169 = %while3A_32 to %while3A_28 step %while3A_34  : i32 {
      %rem3A = arith.constant 3 : i32
      %rem3A_170 = arith.remsi %while3A_169, %rem3A : i32
      %dma_wait3A_171 = arith.constant 0 : i32
      %dma_wait3A_172 = arith.constant 0 : i32
      %dma_wait3A_173 = tpu.memref_slice %arg12[%rem3A_170, %dma_wait3A_171, %dma_wait3A_172] : memref<3x192x128xf32, #tpu.memory_space<vmem>> -> memref<1x192x128xf32, #tpu.memory_space<vmem>>
      %dma_wait3A_174 = tpu.memref_squeeze %dma_wait3A_173 : memref<1x192x128xf32, #tpu.memory_space<vmem>> -> memref<192x128xf32, #tpu.memory_space<vmem>>
      %dma_wait3A_175 = arith.constant 0 : i32
      %dma_wait3A_176 = arith.constant 0 : i32
      %dma_wait3A_177 = tpu.memref_slice %arg2[%dma_wait3A_175, %dma_wait3A_176] : memref<600000x128xf32, #tpu.memory_space<hbm>> -> memref<192x128xf32, #tpu.memory_space<hbm>>
      %dma_wait3A_178 = tpu.memref_slice %arg16[%rem3A_170] : memref<3x!tpu.dma_semaphore, #tpu.memory_space<semaphore_mem>> -> memref<1x!tpu.dma_semaphore, #tpu.memory_space<semaphore_mem>>
      %dma_wait3A_179 = tpu.memref_squeeze %dma_wait3A_178 : memref<1x!tpu.dma_semaphore, #tpu.memory_space<semaphore_mem>> -> memref<!tpu.dma_semaphore, #tpu.memory_space<semaphore_mem>>
      %dma_wait3A_180 = arith.constant 0 : i32
      %dma_wait3A_181 = arith.constant 0 : i32
      %dma_wait3A_182 = tpu.memref_slice %arg12[%rem3A_170, %dma_wait3A_180, %dma_wait3A_181] : memref<3x192x128xf32, #tpu.memory_space<vmem>> -> memref<1x192x128xf32, #tpu.memory_space<vmem>>
      %dma_wait3A_183 = tpu.memref_squeeze %dma_wait3A_182 : memref<1x192x128xf32, #tpu.memory_space<vmem>> -> memref<192x128xf32, #tpu.memory_space<vmem>>
      %dma_wait3A_184 = arith.constant 0 : i32
      %dma_wait3A_185 = arith.constant 0 : i32
      %dma_wait3A_186 = tpu.memref_slice %arg2[%dma_wait3A_184, %dma_wait3A_185] : memref<600000x128xf32, #tpu.memory_space<hbm>> -> memref<192x128xf32, #tpu.memory_space<hbm>>
      tpu.wait_dma2 semaphore(%dma_wait3A_179 : memref<!tpu.dma_semaphore, #tpu.memory_space<semaphore_mem>>) src(%dma_wait3A_186 : memref<192x128xf32, #tpu.memory_space<hbm>>) dst(%dma_wait3A_183 : memref<192x128xf32, #tpu.memory_space<vmem>>)
      %dma_start3A_187 = arith.constant 0 : i32
      %dma_start3A_188 = arith.constant 0 : i32
      %dma_start3A_189 = arith.constant 0 : i32
      %dma_start3A_190 = tpu.memref_slice %arg12[%rem3A_170, %dma_start3A_188, %dma_start3A_189] : memref<3x192x128xf32, #tpu.memory_space<vmem>> -> memref<1x96x128xf32, #tpu.memory_space<vmem>>
      %dma_start3A_191 = tpu.memref_squeeze %dma_start3A_190 : memref<1x96x128xf32, #tpu.memory_space<vmem>> -> memref<96x128xf32, #tpu.memory_space<vmem>>
      %dma_start3A_192 = arith.constant 0 : i32
      %dma_start3A_193 = tpu.memref_slice %arg10[%while3A_169, %dma_start3A_187, %dma_start3A_192] : memref<98x2x96xi32, #tpu.memory_space<vmem>> -> memref<1x1x96xi32, #tpu.memory_space<vmem>>
      %dma_start3A_194 = tpu.memref_squeeze %dma_start3A_193 : memref<1x1x96xi32, #tpu.memory_space<vmem>> -> memref<96xi32, #tpu.memory_space<vmem>>
      %dma_start3A_195 = arith.constant 0 : i32
      %dma_start3A_196 = arith.constant 0 : i32
      %dma_start3A_197 = tpu.memref_slice %arg14[%dma_start3A_195, %dma_start3A_196] : memref<1536x128xf32, #tpu.memory_space<vmem_shared>> -> memref<1536x128xf32, #tpu.memory_space<vmem_shared>>
      %dma_start3A_198 = tpu.memref_slice %arg17[%rem3A_170] : memref<3x!tpu.dma_semaphore, #tpu.memory_space<semaphore_mem>> -> memref<1x!tpu.dma_semaphore, #tpu.memory_space<semaphore_mem>>
      %dma_start3A_199 = tpu.memref_squeeze %dma_start3A_198 : memref<1x!tpu.dma_semaphore, #tpu.memory_space<semaphore_mem>> -> memref<!tpu.dma_semaphore, #tpu.memory_space<semaphore_mem>>
      tpu.enqueue_indirect_dma source(%dma_start3A_191 : memref<96x128xf32, #tpu.memory_space<vmem>>) target(%dma_start3A_197 : memref<1536x128xf32, #tpu.memory_space<vmem_shared>>) offsets(%dma_start3A_194 : memref<96xi32, #tpu.memory_space<vmem>>) semaphore(%dma_start3A_199 : memref<!tpu.dma_semaphore, #tpu.memory_space<semaphore_mem>>) {add = true}
      %dma_start3A_200 = arith.constant 1 : i32
      %dma_start3A_201 = arith.constant 96 : i32
      %dma_start3A_202 = arith.constant 0 : i32
      %dma_start3A_203 = tpu.memref_slice %arg12[%rem3A_170, %dma_start3A_201, %dma_start3A_202] : memref<3x192x128xf32, #tpu.memory_space<vmem>> -> memref<1x96x128xf32, #tpu.memory_space<vmem>>
      %dma_start3A_204 = tpu.memref_squeeze %dma_start3A_203 : memref<1x96x128xf32, #tpu.memory_space<vmem>> -> memref<96x128xf32, #tpu.memory_space<vmem>>
      %dma_start3A_205 = arith.constant 0 : i32
      %dma_start3A_206 = tpu.memref_slice %arg10[%while3A_169, %dma_start3A_200, %dma_start3A_205] : memref<98x2x96xi32, #tpu.memory_space<vmem>> -> memref<1x1x96xi32, #tpu.memory_space<vmem>>
      %dma_start3A_207 = tpu.memref_squeeze %dma_start3A_206 : memref<1x1x96xi32, #tpu.memory_space<vmem>> -> memref<96xi32, #tpu.memory_space<vmem>>
      %dma_start3A_208 = arith.constant 0 : i32
      %dma_start3A_209 = arith.constant 0 : i32
      %dma_start3A_210 = tpu.memref_slice %arg14[%dma_start3A_208, %dma_start3A_209] : memref<1536x128xf32, #tpu.memory_space<vmem_shared>> -> memref<1536x128xf32, #tpu.memory_space<vmem_shared>>
      %dma_start3A_211 = tpu.memref_slice %arg17[%rem3A_170] : memref<3x!tpu.dma_semaphore, #tpu.memory_space<semaphore_mem>> -> memref<1x!tpu.dma_semaphore, #tpu.memory_space<semaphore_mem>>
      %dma_start3A_212 = tpu.memref_squeeze %dma_start3A_211 : memref<1x!tpu.dma_semaphore, #tpu.memory_space<semaphore_mem>> -> memref<!tpu.dma_semaphore, #tpu.memory_space<semaphore_mem>>
      tpu.enqueue_indirect_dma source(%dma_start3A_204 : memref<96x128xf32, #tpu.memory_space<vmem>>) target(%dma_start3A_210 : memref<1536x128xf32, #tpu.memory_space<vmem_shared>>) offsets(%dma_start3A_207 : memref<96xi32, #tpu.memory_space<vmem>>) semaphore(%dma_start3A_212 : memref<!tpu.dma_semaphore, #tpu.memory_space<semaphore_mem>>) {add = true}
      %dma_start3A_213 = arith.constant 0 : i32
      %dma_start3A_214 = tpu.memref_slice %arg11[%while3A_169, %dma_start3A_213] : memref<98x32xi32, #tpu.memory_space<vmem>> -> memref<1x32xi32, #tpu.memory_space<vmem>>
      %dma_start3A_215 = tpu.memref_squeeze %dma_start3A_214 : memref<1x32xi32, #tpu.memory_space<vmem>> -> memref<32xi32, #tpu.memory_space<vmem>>
      %dma_start3A_216 = arith.constant 0 : i32
      %dma_start3A_217 = arith.constant 0 : i32
      %dma_start3A_218 = tpu.memref_slice %arg15[%dma_start3A_216, %dma_start3A_217] : memref<256x16xf32, #tpu.memory_space<vmem_shared>> -> memref<256x16xf32, #tpu.memory_space<vmem_shared>>
      %dma_start3A_219 = tpu.memref_slice %arg18[%rem3A_170] : memref<3x!tpu.dma_semaphore, #tpu.memory_space<semaphore_mem>> -> memref<1x!tpu.dma_semaphore, #tpu.memory_space<semaphore_mem>>
      %dma_start3A_220 = tpu.memref_squeeze %dma_start3A_219 : memref<1x!tpu.dma_semaphore, #tpu.memory_space<semaphore_mem>> -> memref<!tpu.dma_semaphore, #tpu.memory_space<semaphore_mem>>
      tpu.enqueue_indirect_dma source(%arg13 : memref<32x16xf32, #tpu.memory_space<vmem>>) target(%dma_start3A_218 : memref<256x16xf32, #tpu.memory_space<vmem_shared>>) offsets(%dma_start3A_215 : memref<32xi32, #tpu.memory_space<vmem>>) semaphore(%dma_start3A_220 : memref<!tpu.dma_semaphore, #tpu.memory_space<semaphore_mem>>) {add = true}
      %add3A_221 = arith.constant 1 : i32
      %add3A_222 = arith.addi %while3A_169, %add3A_221 : i32
      %rem3A_223 = arith.constant 3 : i32
      %rem3A_224 = arith.remsi %add3A_222, %rem3A_223 : i32
      %lt3A_225 = arith.cmpi slt, %add3A_222, %select_n3A : i32
      %convert_element_type3A = arith.extui %lt3A_225 : i1 to i32
      %cond3A = arith.constant 0 : i32
      %cond3A_226 = arith.cmpi ne, %convert_element_type3A, %cond3A : i32
      scf.if %cond3A_226 {
        %ge3A = arith.constant 3 : i32
        %ge3A_227 = arith.cmpi sge, %add3A_222, %ge3A : i32
        %convert_element_type3A_228 = arith.extui %ge3A_227 : i1 to i32
        %cond3A_229 = arith.constant 0 : i32
        %cond3A_230 = arith.cmpi ne, %convert_element_type3A_228, %cond3A_229 : i32
        scf.if %cond3A_230 {
          %dma_wait3A_250 = arith.constant 0 : i32
          %dma_wait3A_251 = arith.constant 0 : i32
          %dma_wait3A_252 = arith.constant 0 : i32
          %dma_wait3A_253 = arith.constant 0 : i32
          %dma_wait3A_254 = tpu.memref_slice %arg12[%rem3A_224, %dma_wait3A_252, %dma_wait3A_253] : memref<3x192x128xf32, #tpu.memory_space<vmem>> -> memref<1x96x128xf32, #tpu.memory_space<vmem>>
          %dma_wait3A_255 = tpu.memref_squeeze %dma_wait3A_254 : memref<1x96x128xf32, #tpu.memory_space<vmem>> -> memref<96x128xf32, #tpu.memory_space<vmem>>
          %dma_wait3A_256 = arith.constant 0 : i32
          %dma_wait3A_257 = tpu.memref_slice %arg10[%dma_wait3A_250, %dma_wait3A_251, %dma_wait3A_256] : memref<98x2x96xi32, #tpu.memory_space<vmem>> -> memref<1x1x96xi32, #tpu.memory_space<vmem>>
          %dma_wait3A_258 = tpu.memref_squeeze %dma_wait3A_257 : memref<1x1x96xi32, #tpu.memory_space<vmem>> -> memref<96xi32, #tpu.memory_space<vmem>>
          %dma_wait3A_259 = arith.constant 0 : i32
          %dma_wait3A_260 = arith.constant 0 : i32
          %dma_wait3A_261 = tpu.memref_slice %arg14[%dma_wait3A_259, %dma_wait3A_260] : memref<1536x128xf32, #tpu.memory_space<vmem_shared>> -> memref<1536x128xf32, #tpu.memory_space<vmem_shared>>
          %dma_wait3A_262 = tpu.memref_slice %arg17[%rem3A_224] : memref<3x!tpu.dma_semaphore, #tpu.memory_space<semaphore_mem>> -> memref<1x!tpu.dma_semaphore, #tpu.memory_space<semaphore_mem>>
          %dma_wait3A_263 = tpu.memref_squeeze %dma_wait3A_262 : memref<1x!tpu.dma_semaphore, #tpu.memory_space<semaphore_mem>> -> memref<!tpu.dma_semaphore, #tpu.memory_space<semaphore_mem>>
          tpu.wait_indirect_dma semaphore(%dma_wait3A_263 : memref<!tpu.dma_semaphore, #tpu.memory_space<semaphore_mem>>) src(%dma_wait3A_255 : memref<96x128xf32, #tpu.memory_space<vmem>>) dst(%dma_wait3A_261 : memref<1536x128xf32, #tpu.memory_space<vmem_shared>>)
          %dma_wait3A_264 = arith.constant 0 : i32
          %dma_wait3A_265 = arith.constant 0 : i32
          %dma_wait3A_266 = arith.constant 96 : i32
          %dma_wait3A_267 = arith.constant 0 : i32
          %dma_wait3A_268 = tpu.memref_slice %arg12[%rem3A_224, %dma_wait3A_266, %dma_wait3A_267] : memref<3x192x128xf32, #tpu.memory_space<vmem>> -> memref<1x96x128xf32, #tpu.memory_space<vmem>>
          %dma_wait3A_269 = tpu.memref_squeeze %dma_wait3A_268 : memref<1x96x128xf32, #tpu.memory_space<vmem>> -> memref<96x128xf32, #tpu.memory_space<vmem>>
          %dma_wait3A_270 = arith.constant 0 : i32
          %dma_wait3A_271 = tpu.memref_slice %arg10[%dma_wait3A_264, %dma_wait3A_265, %dma_wait3A_270] : memref<98x2x96xi32, #tpu.memory_space<vmem>> -> memref<1x1x96xi32, #tpu.memory_space<vmem>>
          %dma_wait3A_272 = tpu.memref_squeeze %dma_wait3A_271 : memref<1x1x96xi32, #tpu.memory_space<vmem>> -> memref<96xi32, #tpu.memory_space<vmem>>
          %dma_wait3A_273 = arith.constant 0 : i32
          %dma_wait3A_274 = arith.constant 0 : i32
          %dma_wait3A_275 = tpu.memref_slice %arg14[%dma_wait3A_273, %dma_wait3A_274] : memref<1536x128xf32, #tpu.memory_space<vmem_shared>> -> memref<1536x128xf32, #tpu.memory_space<vmem_shared>>
          %dma_wait3A_276 = tpu.memref_slice %arg17[%rem3A_224] : memref<3x!tpu.dma_semaphore, #tpu.memory_space<semaphore_mem>> -> memref<1x!tpu.dma_semaphore, #tpu.memory_space<semaphore_mem>>
          %dma_wait3A_277 = tpu.memref_squeeze %dma_wait3A_276 : memref<1x!tpu.dma_semaphore, #tpu.memory_space<semaphore_mem>> -> memref<!tpu.dma_semaphore, #tpu.memory_space<semaphore_mem>>
          tpu.wait_indirect_dma semaphore(%dma_wait3A_277 : memref<!tpu.dma_semaphore, #tpu.memory_space<semaphore_mem>>) src(%dma_wait3A_269 : memref<96x128xf32, #tpu.memory_space<vmem>>) dst(%dma_wait3A_275 : memref<1536x128xf32, #tpu.memory_space<vmem_shared>>)
          %dma_wait3A_278 = arith.constant 0 : i32
          %dma_wait3A_279 = arith.constant 0 : i32
          %dma_wait3A_280 = tpu.memref_slice %arg11[%dma_wait3A_278, %dma_wait3A_279] : memref<98x32xi32, #tpu.memory_space<vmem>> -> memref<1x32xi32, #tpu.memory_space<vmem>>
          %dma_wait3A_281 = tpu.memref_squeeze %dma_wait3A_280 : memref<1x32xi32, #tpu.memory_space<vmem>> -> memref<32xi32, #tpu.memory_space<vmem>>
          %dma_wait3A_282 = arith.constant 0 : i32
          %dma_wait3A_283 = arith.constant 0 : i32
          %dma_wait3A_284 = tpu.memref_slice %arg15[%dma_wait3A_282, %dma_wait3A_283] : memref<256x16xf32, #tpu.memory_space<vmem_shared>> -> memref<256x16xf32, #tpu.memory_space<vmem_shared>>
          %dma_wait3A_285 = tpu.memref_slice %arg18[%rem3A_224] : memref<3x!tpu.dma_semaphore, #tpu.memory_space<semaphore_mem>> -> memref<1x!tpu.dma_semaphore, #tpu.memory_space<semaphore_mem>>
          %dma_wait3A_286 = tpu.memref_squeeze %dma_wait3A_285 : memref<1x!tpu.dma_semaphore, #tpu.memory_space<semaphore_mem>> -> memref<!tpu.dma_semaphore, #tpu.memory_space<semaphore_mem>>
          tpu.wait_indirect_dma semaphore(%dma_wait3A_286 : memref<!tpu.dma_semaphore, #tpu.memory_space<semaphore_mem>>) src(%arg13 : memref<32x16xf32, #tpu.memory_space<vmem>>) dst(%dma_wait3A_284 : memref<256x16xf32, #tpu.memory_space<vmem_shared>>)
        } else {
        }
        %mul3A_231 = arith.constant 32 : i32
        %mul3A_232 = arith.muli %add3A_222, %mul3A_231 : i32
        %add3A_233 = arith.addi %mul3A_232, %add3A : i32
        %mul3A_234 = arith.constant 192 : i32
        %mul3A_235 = arith.muli %add3A_233, %mul3A_234 : i32
        %dma_start3A_236 = arith.constant 0 : i32
        %dma_start3A_237 = arith.constant 0 : i32
        %dma_start3A_238 = tpu.memref_slice %arg12[%rem3A_224, %dma_start3A_236, %dma_start3A_237] : memref<3x192x128xf32, #tpu.memory_space<vmem>> -> memref<1x192x128xf32, #tpu.memory_space<vmem>>
        %dma_start3A_239 = tpu.memref_squeeze %dma_start3A_238 : memref<1x192x128xf32, #tpu.memory_space<vmem>> -> memref<192x128xf32, #tpu.memory_space<vmem>>
        %dma_start3A_240 = arith.constant 0 : i32
        %dma_start3A_241 = tpu.memref_slice %arg2[%mul3A_235, %dma_start3A_240] : memref<600000x128xf32, #tpu.memory_space<hbm>> -> memref<192x128xf32, #tpu.memory_space<hbm>>
        %dma_start3A_242 = tpu.memref_slice %arg16[%rem3A_224] : memref<3x!tpu.dma_semaphore, #tpu.memory_space<semaphore_mem>> -> memref<1x!tpu.dma_semaphore, #tpu.memory_space<semaphore_mem>>
        %dma_start3A_243 = tpu.memref_squeeze %dma_start3A_242 : memref<1x!tpu.dma_semaphore, #tpu.memory_space<semaphore_mem>> -> memref<!tpu.dma_semaphore, #tpu.memory_space<semaphore_mem>>
        %dma_start3A_244 = arith.constant 0 : i32
        %dma_start3A_245 = arith.constant 0 : i32
        %dma_start3A_246 = tpu.memref_slice %arg12[%rem3A_224, %dma_start3A_244, %dma_start3A_245] : memref<3x192x128xf32, #tpu.memory_space<vmem>> -> memref<1x192x128xf32, #tpu.memory_space<vmem>>
        %dma_start3A_247 = tpu.memref_squeeze %dma_start3A_246 : memref<1x192x128xf32, #tpu.memory_space<vmem>> -> memref<192x128xf32, #tpu.memory_space<vmem>>
        %dma_start3A_248 = arith.constant 0 : i32
        %dma_start3A_249 = tpu.memref_slice %arg2[%mul3A_235, %dma_start3A_248] : memref<600000x128xf32, #tpu.memory_space<hbm>> -> memref<192x128xf32, #tpu.memory_space<hbm>>
        tpu.enqueue_dma source(%dma_start3A_249 : memref<192x128xf32, #tpu.memory_space<hbm>>) target(%dma_start3A_247 : memref<192x128xf32, #tpu.memory_space<vmem>>) target_semaphore(%dma_start3A_243 : memref<!tpu.dma_semaphore, #tpu.memory_space<semaphore_mem>>)
      } else {
      }
    }
    %dma_wait3A = arith.constant 0 : i32
    %dma_wait3A_35 = arith.constant 0 : i32
    %dma_wait3A_36 = arith.constant 0 : i32
    %dma_wait3A_37 = arith.constant 0 : i32
    %dma_wait3A_38 = arith.constant 0 : i32
    %dma_wait3A_39 = arith.constant 0 : i32
    %dma_wait3A_40 = tpu.memref_slice %arg12[%dma_wait3A, %dma_wait3A_38, %dma_wait3A_39] : memref<3x192x128xf32, #tpu.memory_space<vmem>> -> memref<1x96x128xf32, #tpu.memory_space<vmem>>
    %dma_wait3A_41 = tpu.memref_squeeze %dma_wait3A_40 : memref<1x96x128xf32, #tpu.memory_space<vmem>> -> memref<96x128xf32, #tpu.memory_space<vmem>>
    %dma_wait3A_42 = arith.constant 0 : i32
    %dma_wait3A_43 = tpu.memref_slice %arg10[%dma_wait3A_35, %dma_wait3A_36, %dma_wait3A_42] : memref<98x2x96xi32, #tpu.memory_space<vmem>> -> memref<1x1x96xi32, #tpu.memory_space<vmem>>
    %dma_wait3A_44 = tpu.memref_squeeze %dma_wait3A_43 : memref<1x1x96xi32, #tpu.memory_space<vmem>> -> memref<96xi32, #tpu.memory_space<vmem>>
    %dma_wait3A_45 = arith.constant 0 : i32
    %dma_wait3A_46 = arith.constant 0 : i32
    %dma_wait3A_47 = tpu.memref_slice %arg14[%dma_wait3A_45, %dma_wait3A_46] : memref<1536x128xf32, #tpu.memory_space<vmem_shared>> -> memref<1536x128xf32, #tpu.memory_space<vmem_shared>>
    %dma_wait3A_48 = tpu.memref_slice %arg17[%dma_wait3A_37] : memref<3x!tpu.dma_semaphore, #tpu.memory_space<semaphore_mem>> -> memref<1x!tpu.dma_semaphore, #tpu.memory_space<semaphore_mem>>
    %dma_wait3A_49 = tpu.memref_squeeze %dma_wait3A_48 : memref<1x!tpu.dma_semaphore, #tpu.memory_space<semaphore_mem>> -> memref<!tpu.dma_semaphore, #tpu.memory_space<semaphore_mem>>
    tpu.wait_indirect_dma semaphore(%dma_wait3A_49 : memref<!tpu.dma_semaphore, #tpu.memory_space<semaphore_mem>>) src(%dma_wait3A_41 : memref<96x128xf32, #tpu.memory_space<vmem>>) dst(%dma_wait3A_47 : memref<1536x128xf32, #tpu.memory_space<vmem_shared>>)
    %dma_wait3A_50 = arith.constant 0 : i32
    %dma_wait3A_51 = arith.constant 0 : i32
    %dma_wait3A_52 = arith.constant 0 : i32
    %dma_wait3A_53 = arith.constant 0 : i32
    %dma_wait3A_54 = arith.constant 96 : i32
    %dma_wait3A_55 = arith.constant 0 : i32
    %dma_wait3A_56 = tpu.memref_slice %arg12[%dma_wait3A_50, %dma_wait3A_54, %dma_wait3A_55] : memref<3x192x128xf32, #tpu.memory_space<vmem>> -> memref<1x96x128xf32, #tpu.memory_space<vmem>>
    %dma_wait3A_57 = tpu.memref_squeeze %dma_wait3A_56 : memref<1x96x128xf32, #tpu.memory_space<vmem>> -> memref<96x128xf32, #tpu.memory_space<vmem>>
    %dma_wait3A_58 = arith.constant 0 : i32
    %dma_wait3A_59 = tpu.memref_slice %arg10[%dma_wait3A_51, %dma_wait3A_52, %dma_wait3A_58] : memref<98x2x96xi32, #tpu.memory_space<vmem>> -> memref<1x1x96xi32, #tpu.memory_space<vmem>>
    %dma_wait3A_60 = tpu.memref_squeeze %dma_wait3A_59 : memref<1x1x96xi32, #tpu.memory_space<vmem>> -> memref<96xi32, #tpu.memory_space<vmem>>
    %dma_wait3A_61 = arith.constant 0 : i32
    %dma_wait3A_62 = arith.constant 0 : i32
    %dma_wait3A_63 = tpu.memref_slice %arg14[%dma_wait3A_61, %dma_wait3A_62] : memref<1536x128xf32, #tpu.memory_space<vmem_shared>> -> memref<1536x128xf32, #tpu.memory_space<vmem_shared>>
    %dma_wait3A_64 = tpu.memref_slice %arg17[%dma_wait3A_53] : memref<3x!tpu.dma_semaphore, #tpu.memory_space<semaphore_mem>> -> memref<1x!tpu.dma_semaphore, #tpu.memory_space<semaphore_mem>>
    %dma_wait3A_65 = tpu.memref_squeeze %dma_wait3A_64 : memref<1x!tpu.dma_semaphore, #tpu.memory_space<semaphore_mem>> -> memref<!tpu.dma_semaphore, #tpu.memory_space<semaphore_mem>>
    tpu.wait_indirect_dma semaphore(%dma_wait3A_65 : memref<!tpu.dma_semaphore, #tpu.memory_space<semaphore_mem>>) src(%dma_wait3A_57 : memref<96x128xf32, #tpu.memory_space<vmem>>) dst(%dma_wait3A_63 : memref<1536x128xf32, #tpu.memory_space<vmem_shared>>)
    %dma_wait3A_66 = arith.constant 0 : i32
    %dma_wait3A_67 = arith.constant 0 : i32
    %dma_wait3A_68 = arith.constant 0 : i32
    %dma_wait3A_69 = tpu.memref_slice %arg11[%dma_wait3A_66, %dma_wait3A_68] : memref<98x32xi32, #tpu.memory_space<vmem>> -> memref<1x32xi32, #tpu.memory_space<vmem>>
    %dma_wait3A_70 = tpu.memref_squeeze %dma_wait3A_69 : memref<1x32xi32, #tpu.memory_space<vmem>> -> memref<32xi32, #tpu.memory_space<vmem>>
    %dma_wait3A_71 = arith.constant 0 : i32
    %dma_wait3A_72 = arith.constant 0 : i32
    %dma_wait3A_73 = tpu.memref_slice %arg15[%dma_wait3A_71, %dma_wait3A_72] : memref<256x16xf32, #tpu.memory_space<vmem_shared>> -> memref<256x16xf32, #tpu.memory_space<vmem_shared>>
    %dma_wait3A_74 = tpu.memref_slice %arg18[%dma_wait3A_67] : memref<3x!tpu.dma_semaphore, #tpu.memory_space<semaphore_mem>> -> memref<1x!tpu.dma_semaphore, #tpu.memory_space<semaphore_mem>>
    %dma_wait3A_75 = tpu.memref_squeeze %dma_wait3A_74 : memref<1x!tpu.dma_semaphore, #tpu.memory_space<semaphore_mem>> -> memref<!tpu.dma_semaphore, #tpu.memory_space<semaphore_mem>>
    tpu.wait_indirect_dma semaphore(%dma_wait3A_75 : memref<!tpu.dma_semaphore, #tpu.memory_space<semaphore_mem>>) src(%arg13 : memref<32x16xf32, #tpu.memory_space<vmem>>) dst(%dma_wait3A_73 : memref<256x16xf32, #tpu.memory_space<vmem_shared>>)
    %dma_wait3A_76 = arith.constant 1 : i32
    %dma_wait3A_77 = arith.constant 0 : i32
    %dma_wait3A_78 = arith.constant 0 : i32
    %dma_wait3A_79 = arith.constant 1 : i32
    %dma_wait3A_80 = arith.constant 0 : i32
    %dma_wait3A_81 = arith.constant 0 : i32
    %dma_wait3A_82 = tpu.memref_slice %arg12[%dma_wait3A_76, %dma_wait3A_80, %dma_wait3A_81] : memref<3x192x128xf32, #tpu.memory_space<vmem>> -> memref<1x96x128xf32, #tpu.memory_space<vmem>>
    %dma_wait3A_83 = tpu.memref_squeeze %dma_wait3A_82 : memref<1x96x128xf32, #tpu.memory_space<vmem>> -> memref<96x128xf32, #tpu.memory_space<vmem>>
    %dma_wait3A_84 = arith.constant 0 : i32
    %dma_wait3A_85 = tpu.memref_slice %arg10[%dma_wait3A_77, %dma_wait3A_78, %dma_wait3A_84] : memref<98x2x96xi32, #tpu.memory_space<vmem>> -> memref<1x1x96xi32, #tpu.memory_space<vmem>>
    %dma_wait3A_86 = tpu.memref_squeeze %dma_wait3A_85 : memref<1x1x96xi32, #tpu.memory_space<vmem>> -> memref<96xi32, #tpu.memory_space<vmem>>
    %dma_wait3A_87 = arith.constant 0 : i32
    %dma_wait3A_88 = arith.constant 0 : i32
    %dma_wait3A_89 = tpu.memref_slice %arg14[%dma_wait3A_87, %dma_wait3A_88] : memref<1536x128xf32, #tpu.memory_space<vmem_shared>> -> memref<1536x128xf32, #tpu.memory_space<vmem_shared>>
    %dma_wait3A_90 = tpu.memref_slice %arg17[%dma_wait3A_79] : memref<3x!tpu.dma_semaphore, #tpu.memory_space<semaphore_mem>> -> memref<1x!tpu.dma_semaphore, #tpu.memory_space<semaphore_mem>>
    %dma_wait3A_91 = tpu.memref_squeeze %dma_wait3A_90 : memref<1x!tpu.dma_semaphore, #tpu.memory_space<semaphore_mem>> -> memref<!tpu.dma_semaphore, #tpu.memory_space<semaphore_mem>>
    tpu.wait_indirect_dma semaphore(%dma_wait3A_91 : memref<!tpu.dma_semaphore, #tpu.memory_space<semaphore_mem>>) src(%dma_wait3A_83 : memref<96x128xf32, #tpu.memory_space<vmem>>) dst(%dma_wait3A_89 : memref<1536x128xf32, #tpu.memory_space<vmem_shared>>)
    %dma_wait3A_92 = arith.constant 1 : i32
    %dma_wait3A_93 = arith.constant 0 : i32
    %dma_wait3A_94 = arith.constant 0 : i32
    %dma_wait3A_95 = arith.constant 1 : i32
    %dma_wait3A_96 = arith.constant 96 : i32
    %dma_wait3A_97 = arith.constant 0 : i32
    %dma_wait3A_98 = tpu.memref_slice %arg12[%dma_wait3A_92, %dma_wait3A_96, %dma_wait3A_97] : memref<3x192x128xf32, #tpu.memory_space<vmem>> -> memref<1x96x128xf32, #tpu.memory_space<vmem>>
    %dma_wait3A_99 = tpu.memref_squeeze %dma_wait3A_98 : memref<1x96x128xf32, #tpu.memory_space<vmem>> -> memref<96x128xf32, #tpu.memory_space<vmem>>
    %dma_wait3A_100 = arith.constant 0 : i32
    %dma_wait3A_101 = tpu.memref_slice %arg10[%dma_wait3A_93, %dma_wait3A_94, %dma_wait3A_100] : memref<98x2x96xi32, #tpu.memory_space<vmem>> -> memref<1x1x96xi32, #tpu.memory_space<vmem>>
    %dma_wait3A_102 = tpu.memref_squeeze %dma_wait3A_101 : memref<1x1x96xi32, #tpu.memory_space<vmem>> -> memref<96xi32, #tpu.memory_space<vmem>>
    %dma_wait3A_103 = arith.constant 0 : i32
    %dma_wait3A_104 = arith.constant 0 : i32
    %dma_wait3A_105 = tpu.memref_slice %arg14[%dma_wait3A_103, %dma_wait3A_104] : memref<1536x128xf32, #tpu.memory_space<vmem_shared>> -> memref<1536x128xf32, #tpu.memory_space<vmem_shared>>
    %dma_wait3A_106 = tpu.memref_slice %arg17[%dma_wait3A_95] : memref<3x!tpu.dma_semaphore, #tpu.memory_space<semaphore_mem>> -> memref<1x!tpu.dma_semaphore, #tpu.memory_space<semaphore_mem>>
    %dma_wait3A_107 = tpu.memref_squeeze %dma_wait3A_106 : memref<1x!tpu.dma_semaphore, #tpu.memory_space<semaphore_mem>> -> memref<!tpu.dma_semaphore, #tpu.memory_space<semaphore_mem>>
    tpu.wait_indirect_dma semaphore(%dma_wait3A_107 : memref<!tpu.dma_semaphore, #tpu.memory_space<semaphore_mem>>) src(%dma_wait3A_99 : memref<96x128xf32, #tpu.memory_space<vmem>>) dst(%dma_wait3A_105 : memref<1536x128xf32, #tpu.memory_space<vmem_shared>>)
    %dma_wait3A_108 = arith.constant 0 : i32
    %dma_wait3A_109 = arith.constant 1 : i32
    %dma_wait3A_110 = arith.constant 0 : i32
    %dma_wait3A_111 = tpu.memref_slice %arg11[%dma_wait3A_108, %dma_wait3A_110] : memref<98x32xi32, #tpu.memory_space<vmem>> -> memref<1x32xi32, #tpu.memory_space<vmem>>
    %dma_wait3A_112 = tpu.memref_squeeze %dma_wait3A_111 : memref<1x32xi32, #tpu.memory_space<vmem>> -> memref<32xi32, #tpu.memory_space<vmem>>
    %dma_wait3A_113 = arith.constant 0 : i32
    %dma_wait3A_114 = arith.constant 0 : i32
    %dma_wait3A_115 = tpu.memref_slice %arg15[%dma_wait3A_113, %dma_wait3A_114] : memref<256x16xf32, #tpu.memory_space<vmem_shared>> -> memref<256x16xf32, #tpu.memory_space<vmem_shared>>
    %dma_wait3A_116 = tpu.memref_slice %arg18[%dma_wait3A_109] : memref<3x!tpu.dma_semaphore, #tpu.memory_space<semaphore_mem>> -> memref<1x!tpu.dma_semaphore, #tpu.memory_space<semaphore_mem>>
    %dma_wait3A_117 = tpu.memref_squeeze %dma_wait3A_116 : memref<1x!tpu.dma_semaphore, #tpu.memory_space<semaphore_mem>> -> memref<!tpu.dma_semaphore, #tpu.memory_space<semaphore_mem>>
    tpu.wait_indirect_dma semaphore(%dma_wait3A_117 : memref<!tpu.dma_semaphore, #tpu.memory_space<semaphore_mem>>) src(%arg13 : memref<32x16xf32, #tpu.memory_space<vmem>>) dst(%dma_wait3A_115 : memref<256x16xf32, #tpu.memory_space<vmem_shared>>)
    %dma_wait3A_118 = arith.constant 2 : i32
    %dma_wait3A_119 = arith.constant 0 : i32
    %dma_wait3A_120 = arith.constant 0 : i32
    %dma_wait3A_121 = arith.constant 2 : i32
    %dma_wait3A_122 = arith.constant 0 : i32
    %dma_wait3A_123 = arith.constant 0 : i32
    %dma_wait3A_124 = tpu.memref_slice %arg12[%dma_wait3A_118, %dma_wait3A_122, %dma_wait3A_123] : memref<3x192x128xf32, #tpu.memory_space<vmem>> -> memref<1x96x128xf32, #tpu.memory_space<vmem>>
    %dma_wait3A_125 = tpu.memref_squeeze %dma_wait3A_124 : memref<1x96x128xf32, #tpu.memory_space<vmem>> -> memref<96x128xf32, #tpu.memory_space<vmem>>
    %dma_wait3A_126 = arith.constant 0 : i32
    %dma_wait3A_127 = tpu.memref_slice %arg10[%dma_wait3A_119, %dma_wait3A_120, %dma_wait3A_126] : memref<98x2x96xi32, #tpu.memory_space<vmem>> -> memref<1x1x96xi32, #tpu.memory_space<vmem>>
    %dma_wait3A_128 = tpu.memref_squeeze %dma_wait3A_127 : memref<1x1x96xi32, #tpu.memory_space<vmem>> -> memref<96xi32, #tpu.memory_space<vmem>>
    %dma_wait3A_129 = arith.constant 0 : i32
    %dma_wait3A_130 = arith.constant 0 : i32
    %dma_wait3A_131 = tpu.memref_slice %arg14[%dma_wait3A_129, %dma_wait3A_130] : memref<1536x128xf32, #tpu.memory_space<vmem_shared>> -> memref<1536x128xf32, #tpu.memory_space<vmem_shared>>
    %dma_wait3A_132 = tpu.memref_slice %arg17[%dma_wait3A_121] : memref<3x!tpu.dma_semaphore, #tpu.memory_space<semaphore_mem>> -> memref<1x!tpu.dma_semaphore, #tpu.memory_space<semaphore_mem>>
    %dma_wait3A_133 = tpu.memref_squeeze %dma_wait3A_132 : memref<1x!tpu.dma_semaphore, #tpu.memory_space<semaphore_mem>> -> memref<!tpu.dma_semaphore, #tpu.memory_space<semaphore_mem>>
    tpu.wait_indirect_dma semaphore(%dma_wait3A_133 : memref<!tpu.dma_semaphore, #tpu.memory_space<semaphore_mem>>) src(%dma_wait3A_125 : memref<96x128xf32, #tpu.memory_space<vmem>>) dst(%dma_wait3A_131 : memref<1536x128xf32, #tpu.memory_space<vmem_shared>>)
    %dma_wait3A_134 = arith.constant 2 : i32
    %dma_wait3A_135 = arith.constant 0 : i32
    %dma_wait3A_136 = arith.constant 0 : i32
    %dma_wait3A_137 = arith.constant 2 : i32
    %dma_wait3A_138 = arith.constant 96 : i32
    %dma_wait3A_139 = arith.constant 0 : i32
    %dma_wait3A_140 = tpu.memref_slice %arg12[%dma_wait3A_134, %dma_wait3A_138, %dma_wait3A_139] : memref<3x192x128xf32, #tpu.memory_space<vmem>> -> memref<1x96x128xf32, #tpu.memory_space<vmem>>
    %dma_wait3A_141 = tpu.memref_squeeze %dma_wait3A_140 : memref<1x96x128xf32, #tpu.memory_space<vmem>> -> memref<96x128xf32, #tpu.memory_space<vmem>>
    %dma_wait3A_142 = arith.constant 0 : i32
    %dma_wait3A_143 = tpu.memref_slice %arg10[%dma_wait3A_135, %dma_wait3A_136, %dma_wait3A_142] : memref<98x2x96xi32, #tpu.memory_space<vmem>> -> memref<1x1x96xi32, #tpu.memory_space<vmem>>
    %dma_wait3A_144 = tpu.memref_squeeze %dma_wait3A_143 : memref<1x1x96xi32, #tpu.memory_space<vmem>> -> memref<96xi32, #tpu.memory_space<vmem>>
    %dma_wait3A_145 = arith.constant 0 : i32
    %dma_wait3A_146 = arith.constant 0 : i32
    %dma_wait3A_147 = tpu.memref_slice %arg14[%dma_wait3A_145, %dma_wait3A_146] : memref<1536x128xf32, #tpu.memory_space<vmem_shared>> -> memref<1536x128xf32, #tpu.memory_space<vmem_shared>>
    %dma_wait3A_148 = tpu.memref_slice %arg17[%dma_wait3A_137] : memref<3x!tpu.dma_semaphore, #tpu.memory_space<semaphore_mem>> -> memref<1x!tpu.dma_semaphore, #tpu.memory_space<semaphore_mem>>
    %dma_wait3A_149 = tpu.memref_squeeze %dma_wait3A_148 : memref<1x!tpu.dma_semaphore, #tpu.memory_space<semaphore_mem>> -> memref<!tpu.dma_semaphore, #tpu.memory_space<semaphore_mem>>
    tpu.wait_indirect_dma semaphore(%dma_wait3A_149 : memref<!tpu.dma_semaphore, #tpu.memory_space<semaphore_mem>>) src(%dma_wait3A_141 : memref<96x128xf32, #tpu.memory_space<vmem>>) dst(%dma_wait3A_147 : memref<1536x128xf32, #tpu.memory_space<vmem_shared>>)
    %dma_wait3A_150 = arith.constant 0 : i32
    %dma_wait3A_151 = arith.constant 2 : i32
    %dma_wait3A_152 = arith.constant 0 : i32
    %dma_wait3A_153 = tpu.memref_slice %arg11[%dma_wait3A_150, %dma_wait3A_152] : memref<98x32xi32, #tpu.memory_space<vmem>> -> memref<1x32xi32, #tpu.memory_space<vmem>>
    %dma_wait3A_154 = tpu.memref_squeeze %dma_wait3A_153 : memref<1x32xi32, #tpu.memory_space<vmem>> -> memref<32xi32, #tpu.memory_space<vmem>>
    %dma_wait3A_155 = arith.constant 0 : i32
    %dma_wait3A_156 = arith.constant 0 : i32
    %dma_wait3A_157 = tpu.memref_slice %arg15[%dma_wait3A_155, %dma_wait3A_156] : memref<256x16xf32, #tpu.memory_space<vmem_shared>> -> memref<256x16xf32, #tpu.memory_space<vmem_shared>>
    %dma_wait3A_158 = tpu.memref_slice %arg18[%dma_wait3A_151] : memref<3x!tpu.dma_semaphore, #tpu.memory_space<semaphore_mem>> -> memref<1x!tpu.dma_semaphore, #tpu.memory_space<semaphore_mem>>
    %dma_wait3A_159 = tpu.memref_squeeze %dma_wait3A_158 : memref<1x!tpu.dma_semaphore, #tpu.memory_space<semaphore_mem>> -> memref<!tpu.dma_semaphore, #tpu.memory_space<semaphore_mem>>
    tpu.wait_indirect_dma semaphore(%dma_wait3A_159 : memref<!tpu.dma_semaphore, #tpu.memory_space<semaphore_mem>>) src(%arg13 : memref<32x16xf32, #tpu.memory_space<vmem>>) dst(%dma_wait3A_157 : memref<256x16xf32, #tpu.memory_space<vmem_shared>>)
    %barrier3A_160 = arith.constant 0 : index
    tpu.barrier barrier_id(%barrier3A_160)
    %mul3A_161 = arith.constant 96 : i32
    %mul3A_162 = arith.muli %arg1, %mul3A_161 : i32
    %mul3A_163 = arith.constant 96 : i32
    %mul3A_164 = arith.muli %arg1, %mul3A_163 : i32
    "tpu.region"() ({
      %run_scoped3A = tpu.sem_alloc : memref<!tpu.dma_semaphore, #tpu.memory_space<semaphore_mem>>
      %dma_start3A_169 = arith.constant 0 : i32
      %dma_start3A_170 = tpu.memref_slice %arg8[%arg0, %mul3A_164, %dma_start3A_169] : memref<2x1536x128xf32, #tpu.memory_space<hbm>> -> memref<1x96x128xf32, #tpu.memory_space<hbm>>
      %dma_start3A_171 = tpu.memref_squeeze %dma_start3A_170 : memref<1x96x128xf32, #tpu.memory_space<hbm>> -> memref<96x128xf32, #tpu.memory_space<hbm>>
      %dma_start3A_172 = arith.constant 0 : i32
      %dma_start3A_173 = tpu.memref_slice %arg14[%mul3A_162, %dma_start3A_172] : memref<1536x128xf32, #tpu.memory_space<vmem_shared>> -> memref<96x128xf32, #tpu.memory_space<vmem_shared>>
      tpu.enqueue_dma source(%dma_start3A_173 : memref<96x128xf32, #tpu.memory_space<vmem_shared>>) target(%dma_start3A_171 : memref<96x128xf32, #tpu.memory_space<hbm>>) target_semaphore(%run_scoped3A : memref<!tpu.dma_semaphore, #tpu.memory_space<semaphore_mem>>)
      %dma_wait3A_174 = arith.constant 0 : i32
      %dma_wait3A_175 = tpu.memref_slice %arg8[%arg0, %mul3A_164, %dma_wait3A_174] : memref<2x1536x128xf32, #tpu.memory_space<hbm>> -> memref<1x96x128xf32, #tpu.memory_space<hbm>>
      %dma_wait3A_176 = tpu.memref_squeeze %dma_wait3A_175 : memref<1x96x128xf32, #tpu.memory_space<hbm>> -> memref<96x128xf32, #tpu.memory_space<hbm>>
      %dma_wait3A_177 = arith.constant 0 : i32
      %dma_wait3A_178 = tpu.memref_slice %arg14[%mul3A_162, %dma_wait3A_177] : memref<1536x128xf32, #tpu.memory_space<vmem_shared>> -> memref<96x128xf32, #tpu.memory_space<vmem_shared>>
      tpu.wait_dma2 semaphore(%run_scoped3A : memref<!tpu.dma_semaphore, #tpu.memory_space<semaphore_mem>>) src(%dma_wait3A_178 : memref<96x128xf32, #tpu.memory_space<vmem_shared>>) dst(%dma_wait3A_176 : memref<96x128xf32, #tpu.memory_space<hbm>>)
      tpu.yield
    }) : () -> ()
    %mul3A_165 = arith.constant 16 : i32
    %mul3A_166 = arith.muli %arg1, %mul3A_165 : i32
    %mul3A_167 = arith.constant 16 : i32
    %mul3A_168 = arith.muli %arg1, %mul3A_167 : i32
    "tpu.region"() ({
      %run_scoped3A = tpu.sem_alloc : memref<!tpu.dma_semaphore, #tpu.memory_space<semaphore_mem>>
      %dma_start3A_169 = arith.constant 0 : i32
      %dma_start3A_170 = tpu.memref_slice %arg9[%arg0, %mul3A_168, %dma_start3A_169] : memref<2x256x16xf32, #tpu.memory_space<hbm>> -> memref<1x16x16xf32, #tpu.memory_space<hbm>>
      %dma_start3A_171 = tpu.memref_squeeze %dma_start3A_170 : memref<1x16x16xf32, #tpu.memory_space<hbm>> -> memref<16x16xf32, #tpu.memory_space<hbm>>
      %dma_start3A_172 = arith.constant 0 : i32
      %dma_start3A_173 = tpu.memref_slice %arg15[%mul3A_166, %dma_start3A_172] : memref<256x16xf32, #tpu.memory_space<vmem_shared>> -> memref<16x16xf32, #tpu.memory_space<vmem_shared>>
      tpu.enqueue_dma source(%dma_start3A_173 : memref<16x16xf32, #tpu.memory_space<vmem_shared>>) target(%dma_start3A_171 : memref<16x16xf32, #tpu.memory_space<hbm>>) target_semaphore(%run_scoped3A : memref<!tpu.dma_semaphore, #tpu.memory_space<semaphore_mem>>)
      %dma_wait3A_174 = arith.constant 0 : i32
      %dma_wait3A_175 = tpu.memref_slice %arg9[%arg0, %mul3A_168, %dma_wait3A_174] : memref<2x256x16xf32, #tpu.memory_space<hbm>> -> memref<1x16x16xf32, #tpu.memory_space<hbm>>
      %dma_wait3A_176 = tpu.memref_squeeze %dma_wait3A_175 : memref<1x16x16xf32, #tpu.memory_space<hbm>> -> memref<16x16xf32, #tpu.memory_space<hbm>>
      %dma_wait3A_177 = arith.constant 0 : i32
      %dma_wait3A_178 = tpu.memref_slice %arg15[%mul3A_166, %dma_wait3A_177] : memref<256x16xf32, #tpu.memory_space<vmem_shared>> -> memref<16x16xf32, #tpu.memory_space<vmem_shared>>
      tpu.wait_dma2 semaphore(%run_scoped3A : memref<!tpu.dma_semaphore, #tpu.memory_space<semaphore_mem>>) src(%dma_wait3A_178 : memref<16x16xf32, #tpu.memory_space<vmem_shared>>) dst(%dma_wait3A_176 : memref<16x16xf32, #tpu.memory_space<hbm>>)
      tpu.yield
    }) : () -> ()
    return
  }
}

module attributes {stable_mosaic.version = 14 : i64} {
  func.func @body(%arg0: memref<2x256x768xf32, #tpu.memory_space<vmem>>, %arg1: memref<2x256x16xf32, #tpu.memory_space<vmem>>, %arg2: memref<128x768xf32, #tpu.memory_space<vmem>>, %arg3: memref<1x128xf32, #tpu.memory_space<vmem>>, %arg4: memref<8x128xf32, #tpu.memory_space<vmem>>, %arg5: memref<1x1xf32, #tpu.memory_space<smem>>, %arg6: memref<256x1xf32, #tpu.memory_space<vmem>>) attributes {dimension_semantics = [], scalar_prefetch = 0 : i64, scratch_operands = 0 : i64, tpu.core_type = #tpu.core_type<tc>} {
    %get3A = arith.constant 0 : index
    %get3A_0 = arith.constant 0 : index
    %get3A_1 = arith.constant 0 : index
    %get3A_2 = vector.load %arg0[%get3A, %get3A_0, %get3A_1] : memref<2x256x768xf32, #tpu.memory_space<vmem>>, vector<1x256x768xf32>
    %get3A_3 = vector.shape_cast %get3A_2 : vector<1x256x768xf32> to vector<256x768xf32>
    %get3A_4 = arith.constant 1 : index
    %get3A_5 = arith.constant 0 : index
    %get3A_6 = arith.constant 0 : index
    %get3A_7 = vector.load %arg0[%get3A_4, %get3A_5, %get3A_6] : memref<2x256x768xf32, #tpu.memory_space<vmem>>, vector<1x256x768xf32>
    %get3A_8 = vector.shape_cast %get3A_7 : vector<1x256x768xf32> to vector<256x768xf32>
    %add3A = arith.addf %get3A_3, %get3A_8 : vector<256x768xf32>
    %get3A_9 = arith.constant 0 : index
    %get3A_10 = arith.constant 0 : index
    %get3A_11 = arith.constant 0 : index
    %get3A_12 = vector.load %arg1[%get3A_9, %get3A_10, %get3A_11] : memref<2x256x16xf32, #tpu.memory_space<vmem>>, vector<1x256x1xf32>
    %get3A_13 = vector.shape_cast %get3A_12 : vector<1x256x1xf32> to vector<256x1xf32>
    %get3A_14 = arith.constant 1 : index
    %get3A_15 = arith.constant 0 : index
    %get3A_16 = arith.constant 0 : index
    %get3A_17 = vector.load %arg1[%get3A_14, %get3A_15, %get3A_16] : memref<2x256x16xf32, #tpu.memory_space<vmem>>, vector<1x256x1xf32>
    %get3A_18 = vector.shape_cast %get3A_17 : vector<1x256x1xf32> to vector<256x1xf32>
    %add3A_19 = arith.addf %get3A_13, %get3A_18 : vector<256x1xf32>
    %jit3A = arith.constant 1.000000e+00 : f32
    %max3A = vector.broadcast %jit3A : f32 to vector<256x1xf32>
    %max3A_20 = arith.maximumf %max3A, %add3A_19 : vector<256x1xf32>
    %div3A = vector.broadcast %max3A_20 : vector<256x1xf32> to vector<256x768xf32>
    %div3A_21 = arith.divf %add3A, %div3A : vector<256x768xf32>
    %get3A_22 = arith.constant 0 : index
    %get3A_23 = arith.constant 0 : index
    %get3A_24 = vector.load %arg2[%get3A_22, %get3A_23] : memref<128x768xf32, #tpu.memory_space<vmem>>, vector<128x768xf32>
    %dot_general3A = arith.constant dense<0.000000e+00> : vector<256x128xf32>
    %dot_general3A_25 = tpu.matmul %div3A_21, %get3A_24, %dot_general3A {dimension_numbers = #tpu.dot_dimension_numbers<[1], [1], [0], [0], [0, 0, 1, 0], [], []>, precision = #tpu.contract_precision<fp32>, transpose_lhs_hint = false} : vector<256x768xf32>, vector<128x768xf32>, vector<256x128xf32> -> vector<256x128xf32>
    %get3A_26 = arith.constant 0 : index
    %get3A_27 = arith.constant 0 : index
    %get3A_28 = vector.load %arg3[%get3A_26, %get3A_27] : memref<1x128xf32, #tpu.memory_space<vmem>>, vector<1x128xf32>
    %add3A_29 = vector.broadcast %get3A_28 : vector<1x128xf32> to vector<256x128xf32>
    %add3A_30 = arith.addf %dot_general3A_25, %add3A_29 : vector<256x128xf32>
    %max3A_31 = arith.constant 0.000000e+00 : f32
    %max3A_32 = vector.broadcast %max3A_31 : f32 to vector<256x128xf32>
    %max3A_33 = arith.maximumf %add3A_30, %max3A_32 : vector<256x128xf32>
    %get3A_34 = arith.constant 0 : index
    %get3A_35 = arith.constant 0 : index
    %get3A_36 = vector.load %arg4[%get3A_34, %get3A_35] : memref<8x128xf32, #tpu.memory_space<vmem>>, vector<8x128xf32>
    %dot_general3A_37 = arith.constant dense<0.000000e+00> : vector<256x8xf32>
    %dot_general3A_38 = tpu.matmul %max3A_33, %get3A_36, %dot_general3A_37 {dimension_numbers = #tpu.dot_dimension_numbers<[1], [1], [0], [0], [0, 0, 1, 0], [], []>, precision = #tpu.contract_precision<fp32>, transpose_lhs_hint = false} : vector<256x128xf32>, vector<8x128xf32>, vector<256x8xf32> -> vector<256x8xf32>
    %slice3A = vector.extract_strided_slice %dot_general3A_38 {offsets = [0, 0], sizes = [256, 1], strides = [1, 1]} : vector<256x8xf32> to vector<256x1xf32>
    %get3A_39 = arith.constant 0 : index
    %get3A_40 = arith.constant 0 : index
    %get3A_41 = memref.load %arg5[%get3A_39, %get3A_40] : memref<1x1xf32, #tpu.memory_space<smem>>
    %add3A_42 = vector.broadcast %get3A_41 : f32 to vector<256x1xf32>
    %add3A_43 = arith.addf %slice3A, %add3A_42 : vector<256x1xf32>
    %swap3A = arith.constant 0 : index
    %swap3A_44 = arith.constant 0 : index
    %swap3A_45 = vector.load %arg6[%swap3A, %swap3A_44] : memref<256x1xf32, #tpu.memory_space<vmem>>, vector<256x1xf32>
    tpu.vector_store %arg6[%swap3A, %swap3A_44], %add3A_43 {strides = array<i32>} : memref<256x1xf32, #tpu.memory_space<vmem>>, vector<256x1xf32>,
    return
  }
}

</mosaic_0001>

<sc_bundles>
// kernel: kernel.4.cloned.1.call-start
scs
__scs_entry_jumppad:
0x0: {  	(pc) =	sbr.rel $0x88, $3  }
0x1: {  	(tag) =	ssettag $0x0;
	lr =	simm.s32 $0x1  }
0x2: {  	[smem:$0x3F9B] =	sst lr;
	_ =	strace $0xD0000000  }
0x3: {  	_ = 	snop  }
0x4: {  	_ = 	snop  }
0x5: {  	_ = 	snop  }
0x6: {  	_ = 	snop  }
0x7: {  	_ = 	snop  }
__scs_overlays_trampoline_lowered:
0x8: {  	[smem:$0x3FAA] =	sst s0  }
0x9: {  	[smem:$0x3FAB] =	sst s1  }
0xa: {  	[smem:$0x3FAC] =	sst s2  }
0xb: {  	[smem:$0x3FAD] =	sst s3  }
0xc: {  	[smem:$0x3FAE] =	sst s4  }
0xd: {  	[smem:$0x3FAF] =	sst s5  }
0xe: {  	[smem:$0x3FB0] =	sst s6  }
0xf: {  	[smem:$0x3FB1] =	sst s7  }
0x10: {  	[smem:$0x3FB2] =	sst s8  }
0x11: {  	[smem:$0x3FB3] =	sst s9;
	s0 =	simm.s32 @!p0 $0x0  }
0x12: {  	s1 =	sld [smem:$0x3F99];
	s0 =	simm.s32 @p0 $0x1  }
0x13: {  	[smem:$0x3FB4] =	sst s0;
	s0 =	simm.s32 @!p1 $0x0  }
0x14: {  	s2 =	sld [smem:$0x3F98];
	s0 =	simm.s32 @p1 $0x1  }
0x15: {  	[smem:$0x3FB5] =	sst s0;
	s0 =	simm.s32 @!p2 $0x0  }
0x16: {  	s3 =	sld [smem:$0x3FDB];
	s0 =	simm.s32 @p2 $0x1  }
0x17: {  	s4 =	simm.s32 $0x1BF5;
	[smem:$0x3FB7] =	sst s0  }
0x18: {  	s0 =	sld [smem:$0x3F9A];
	_ =	swait.ge [sflag:s4], $0x0  }
0x19: {  	s7 =	sld [smem:$0x3F9B]  }
0x1a: {  	s8 =	sadd.s32 $0xFFFFE003, lr  }
0x1b: {  	s9 =	sadd.s32 $0xFFFFFEF7, lr;
	s5 =	simm.s32 $0xFFFFFFFF;
	p2 =	slt.u32 s8, $0xFFFFF086  }
0x1c: {  	p1 =	slt.u32 s9, $0xF7A;
	s5 =	simm.s32 @!p2 $0x0  }
0x1d: {  	s5 =	simm.s32 @p1 $0x1;
	p0 =	seq.s32 s7, s2  }
0x1e: {  	s7 =	smul.u32 @!p0 $0xF7A, s2;
	p2 =	seq.s32 @!p0 s5, $0x0  }
0x1f: {  	s9 =	smul.u32 $0xF7A, s1;
	s8 =	simm.s32 @!p0 $0x1BF5;
	p2 =	por !p2, p0  }
0x20: {  	[sflag:s8] =	ssyncset.s32 @!p0 $0xFFFFF086;
	s6 =	sadd.s32 @!p0 s3, s7;
	s7 =	simm.s32 @!p0 $0x108  }
0x21: {  	s3 =	sadd.s32 s3, s9;
	s6 =	sadd.s32 @!p0 $0x88, s6;
	s7 =	simm.s32 @p2 $0x1082  }
0x22: {  	[simem:s7], [sflag:s8] =	dma.local @!p0 [hbm:s6], $0xF7A  }
0x23: {  	s9 =	sor.u32 $0xD0000000, s2;
	s6 =	simm.s32 $0x108;
	_ =	swait.ge @!p0 [sflag:s8], $0x0  }
0x24: {  	s3 =	sadd.s32 $0x88, s3;
	s6 =	simm.s32 @!p1 $0x1082;
	[sflag:s4] =	ssyncset.s32 $0xFFFFF086  }
0x25: {  	[simem:s6], [sflag:s4] =	dma.local [hbm:s3], $0xF7A  }
0x26: {  	[smem:$0x3F9B] =	sst s1;
	(tag) =	ssettag s2;
	_ =	strace s9  }
0x27: {  	s1 =	sld [smem:$0x3FAB]  }
0x28: {  	s2 =	sld [smem:$0x3FAC]  }
0x29: {  	s4 =	sld [smem:$0x3FAE]  }
0x2a: {  	p0 =	seq.s32 s5, $0x0;
	s5 =	sld [smem:$0x3FAF]  }
0x2b: {  	s6 =	sld [smem:$0x3FB0]  }
0x2c: {  	s7 =	sld [smem:$0x3FB1]  }
0x2d: {  	s3 =	simm.s32 $0x108;
	s8 =	sld [smem:$0x3FB2]  }
0x2e: {  	s3 =	simm.s32 @!p0 $0x1082;
	s9 =	sld [smem:$0x3FB3]  }
0x2f: {  	lr =	sadd.s32 s0, s3;
	s0 =	sld [smem:$0x3FAA]  }
0x30: {  	s3 =	sld [smem:$0x3FAD]  }
0x31: {  	[smem:$0x3FB6] =	sst s10  }
0x32: {  	s10 =	sld [smem:$0x3FB4];
	_ =	sdelay $0x3  }
0x33: {  	p0 =	seq.s32 s10, $0x1;
	s10 =	sld [smem:$0x3FB6];
	_ =	sdelay $0x3  }
0x34: {  	[smem:$0x3FB6] =	sst s10  }
0x35: {  	s10 =	sld [smem:$0x3FB5];
	_ =	sdelay $0x3  }
0x36: {  	p1 =	seq.s32 s10, $0x1;
	s10 =	sld [smem:$0x3FB6];
	_ =	sdelay $0x3  }
0x37: {  	[smem:$0x3FB6] =	sst s10  }
0x38: {  	s10 =	sld [smem:$0x3FB7]  }
0x39: {  	_ = 	snop;
	(pc) =	sbr.ind lr, $3  }
0x3a: {  	_ = 	snop  }
0x3b: {  	_ = 	snop  }
0x3c: {  	p2 =	seq.s32 s10, $0x1;
	s10 =	sld [smem:$0x3FB6]  }
0x3d: {  	_ =	shalt  }
0x3e: {  	_ =	shalt  }
0x3f: {  	_ =	shalt  }
0x40: {  	_ =	shalt  }
0x41: {  	_ =	shalt  }
0x42: {  	_ =	shalt  }
0x43: {  	_ =	shalt  }
0x44: {  	_ =	shalt  }
0x45: {  	_ =	shalt  }
0x46: {  	_ =	shalt  }
0x47: {  	_ =	shalt  }
0x48: {  	_ =	shalt  }
0x49: {  	_ =	shalt  }
0x4a: {  	_ =	shalt  }
0x4b: {  	_ =	shalt  }
0x4c: {  	_ =	shalt  }
0x4d: {  	_ =	shalt  }
0x4e: {  	_ =	shalt  }
0x4f: {  	_ =	shalt  }
0x50: {  	_ =	shalt  }
0x51: {  	_ =	shalt  }
0x52: {  	_ =	shalt  }
0x53: {  	_ =	shalt  }
0x54: {  	_ =	shalt  }
0x55: {  	_ =	shalt  }
0x56: {  	_ =	shalt  }
0x57: {  	_ =	shalt  }
0x58: {  	_ =	shalt  }
0x59: {  	_ =	shalt  }
0x5a: {  	_ =	shalt  }
0x5b: {  	_ =	shalt  }
0x5c: {  	_ =	shalt  }
0x5d: {  	_ =	shalt  }
0x5e: {  	_ =	shalt  }
0x5f: {  	_ =	shalt  }
0x60: {  	_ =	shalt  }
0x61: {  	_ =	shalt  }
0x62: {  	_ =	shalt  }
0x63: {  	_ =	shalt  }
0x64: {  	_ =	shalt  }
0x65: {  	_ =	shalt  }
0x66: {  	_ =	shalt  }
0x67: {  	_ =	shalt  }
0x68: {  	_ =	shalt  }
0x69: {  	_ =	shalt  }
0x6a: {  	_ =	shalt  }
0x6b: {  	_ =	shalt  }
0x6c: {  	_ =	shalt  }
0x6d: {  	_ =	shalt  }
0x6e: {  	_ =	shalt  }
0x6f: {  	_ =	shalt  }
0x70: {  	_ =	shalt  }
0x71: {  	_ =	shalt  }
0x72: {  	_ =	shalt  }
0x73: {  	_ =	shalt  }
0x74: {  	_ =	shalt  }
0x75: {  	_ =	shalt  }
0x76: {  	_ =	shalt  }
0x77: {  	_ =	shalt  }
0x78: {  	_ =	shalt  }
0x79: {  	_ =	shalt  }
0x7a: {  	_ =	shalt  }
0x7b: {  	_ =	shalt  }
0x7c: {  	_ =	shalt  }
0x7d: {  	_ =	shalt  }
0x7e: {  	_ =	shalt  }
0x7f: {  	_ =	shalt  }
0x80: {  	_ =	shalt  }
0x81: {  	_ =	shalt  }
0x82: {  	_ =	shalt  }
0x83: {  	_ =	shalt  }
0x84: {  	_ =	shalt  }
0x85: {  	_ =	shalt  }
0x86: {  	_ =	shalt  }
0x87: {  	_ =	shalt  }
.Lfunc_end0:
.L_simem_size_0:
called_computation_lowered:
.L_overlay_start_0:
0x88: {  	s2 =	sld [smem:$0x3FD9]  }
0x89: {  	s3 =	sld [smem:$0x3FFE];
	_ =	sdelay $0x1  }
0x8a: {  	s1 =	srdreg.scid  }
0x8b: {  	s0 =	sand.u32 $0x1, s1  }
0x8c: {  	s17 =	sshll.u32 s0, $0xA;
	s2 =	sadd.s32 s3, s2  }
0x8d: {  	s2 =	sadd.s32 s2, s17  }
0x8e: {  	[smem:$0x3FC2] =	sst s2  }
0x8f: {  	_ = 	snop  }
0x90: {  	s2 =	sld [smem:$0x3FC9]  }
0x91: {  	s18 =	sld [smem:$0x3FD0];
	(tm) =	ssettm $0x1  }
0x92: {  	s4 =	sld [smem:$0x3FFB];
	_ =	sdelay $0x3  }
0x93: {  	_ =	strace s4  }
0x94: {  	s4 =	sld [smem:$0x3FFC];
	_ =	sdelay $0x3  }
0x95: {  	_ =	strace s4  }
0x96: {  	s4 =	sld [smem:$0x3FFD];
	_ =	sdelay $0x3  }
0x97: {  	_ =	strace s4  }
0x98: {  	_ =	strace $0x8FFFFFFF  }
0x99: {  	s19 =	sld [smem:$0x3FDB];
	_ =	sdelay $0x1  }
0x9a: {  	s5 =	simm.s32 $_scs_section_size  }
0x9b: {  	s6 =	simm.s32 $_size__tile_overlayer_lowered;
	s7 =	simm.s32 $_tile_overlayer_lowered  }
0x9c: {  	s22 =	simm.s32 $0x1BFF;
	s21 =	sshll.u32 s7, $0x1;
	s4 =	sadd.s32 s5, s19  }
0x9d: {  	s8 =	simm.s32 $0x0;
	s20 =	sshll.u32 s6, $0x1;
	s6 =	sadd.s32 s21, s4  }
0x9e: {  	[timem:s8], [sflag:s22] =	dma.local [hbm:s6], s20  }
0x9f: {  	_ =	swait.ge [sflag:s22], s20  }
0xa0: {  	s5 =	ssub.s32 $0x0, s20;
	[sflag:s22] =	ssyncset.done $0x0  }
0xa1: {  	[sflag:s22] =	ssyncadd.s32 s5;
	_ =	sdelay $0x1  }
0xa2: {  	s23 =	simm.s32 $0x1B8B  }
0xa3: {  	_ =	swait.ge [sflag:s23], $0x1  }
0xa4: {  	[sflag:s23] =	ssyncset.done $0x0  }
0xa5: {  	s25 =	simm.s32 $0x1B8E;
	s24 =	sld [smem:$0x3FFE];
	[sflag:s23] =	ssyncadd.s32 $0xFFFFFFFF  }
0xa6: {  	s26 =	simm.s32 $execute0_lowered;
	[smem:$0x3FD2] =	sst s25  }
0xa7: {  	s6 =	sshll.u32 s26, $0x1;
	_ =	strace $0x80000046;
	[dreg:$0x1] =	wrdreg $0xFFFFFFFF  }
0xa8: {  	s28 =	simm.s32 $_size_execute0_lowered;
	s4 =	sadd.s32 s4, s6;
	[dreg:$0x0] =	wrdreg $0x0  }
0xa9: {  	s6 =	sshll.u32 s28, $0x1;
	[dreg:$0x2] =	wrdreg s4  }
0xaa: {  	[dreg:$0x3] =	wrdreg s6  }
0xab: {  	[dreg:$0x4] =	wrdreg $0xC0  }
0xac: {  	_ =	task [dreg:s8], $0x5FFFF  }
0xad: {  	[dreg:$0x1] =	wrdreg $0xFFFFFFFF  }
0xae: {  	[dreg:$0x0] =	wrdreg $0x60  }
0xaf: {  	[dreg:$0x2] =	wrdreg s2  }
0xb0: {  	[dreg:$0x3] =	wrdreg s24  }
0xb1: {  	[dreg:$0x4] =	wrdreg s18  }
0xb2: {  	[dreg:$0x5] =	wrdreg $0x177C00  }
0xb3: {  	[dreg:$0x6] =	wrdreg $0x1A7C00  }
0xb4: {  	[dreg:$0x7] =	wrdreg $0x9  }
0xb5: {  	_ =	task.clear_ibuf [dreg:s8], $0x8FFFF;
	_ =	strace $0x90000046  }
0xb6: {  	s29 =	simm.s32 $0x9;
	_ =	strace $0x80000048  }
0xb7: {  	_ =	swait.ge [sflag:s29], $0x1  }
0xb8: {  	[sflag:s29] =	ssyncadd.s32 $0xFFFFFFFF  }
0xb9: {  	_ =	strace $0x90000048  }
0xba: {  	_ =	sfence  }
0xbb: {  	s30 =	sld [smem:$0x0];
	_ =	sdelay $0x2  }
0xbc: {  	s31 =	sshll.u32 s1, $0xD;
	s1 =	sshrl.u32 s1, $0x2  }
0xbd: {  	s3 =	sand.u32 $0x4000, s31;
	s1 =	sadd.s32 s1, s30  }
0xbe: {  	s0 =	sor.u32 s3, s0;
	s1 =	sshll.u32 s1, $0x11  }
0xbf: {  	s0 =	sor.u32 s1, s0  }
0xc0: {  	s0 =	sadd.s32 $0x8F2B, s0  }
0xc1: {  	[sflag:s0] =	ssyncadd.remote.s32 $0x1  }
0xc2: {  	_ =	sfence.sel $0xFFFF  }
0xc3: {  	[dreg:$0x0] =	wrdreg $0xFFFFFFFF;
	(pc) =	sbr.abs _section_cstart, $3  }
0xc4: {  	[dreg:$0x1] =	wrdreg $0xFFFFFFFF  }
0xc5: {  	_ =	task.clear_ibuf [dreg:s8], $0x2FFFF;
	_ =	strace $0x9FFFFFFF  }
0xc6: {  	(tm) =	ssettm $0x7FFFFFFF  }
0xc7: {  	_ =	shalt  }
tec
execute0_lowered:
.L_overlay_start_1:
0x0: {  	(tag) =	ssettag $0x1  }
0x1: {  	s0 =	rddreg [dreg:$0x0];
	s1 =	srdreg.scid  }
0x2: {  	s2 =	rddreg [dreg:$0x1];
	s18 =	stileid.u32  }
0x3: {  	s3 =	rddreg [dreg:$0x3];
	s5 =	simm.s32 $0x0;
	s31 =	simm.s32 $0x20  }
0x4: {  	s28 =	simm.s32 $0x9;
	s29 =	simm.s32 $0x0;
	s1 =	sand.u32 $0x1, s1  }
0x5: {  	[smem:$0x7FF] =	sst s5;
	s9 =	smul.u32 $0x3000, s18;
	s13 =	sshll.u32 s18, $0x8  }
0x6: {  	s16 =	sadd.s32 $0x16800, s2;
	s17 =	sadd.s32 $0x16200, s2;
	s21 =	smul.u32 $0xC00, s18  }
0x7: {  	s20 =	sshll.u32 s18, $0x6;
	s4 =	sshll.u32 s1, $0x4;
	s8 =	smul.u32 $0x30000, s1  }
0x8: {  	s15 =	sshll.u32 s1, $0xC;
	s10 =	sor.u32 s18, s4;
	s4 =	rddreg [dreg:$0x4]  }
0x9: {  	s19 =	ssub.s32 $0x2, s1;
	_ =	strace $0x80000047;
	[dreg:$0x9] =	wrdreg s16  }
0xa: {  	s1 =	smul.u32 $0xC000, s1;
	s14 =	sor.u32 s13, s15;
	[dreg:$0xa] =	wrdreg s17  }
0xb: {  	s16 =	sshrl.u32 s19, $0x1;
	s17 =	sadd.s32 s9, s3;
	s6 =	smul.u32 $0x930, s10  }
0xc: {  	[dreg:$0x6] =	wrdreg s31;
	s7 =	smul.u32 $0x188, s10;
	s8 =	sadd.s32 s9, s8  }
0xd: {  	s14 =	sshrl.u32 s14, $0x3;
	p0 =	slt.u32 s10, $0x15;
	s16 =	ssub.s32 s19, s16  }
0xe: {  	s9 =	sor.u32 $0x1C0A, s20;
	s22 =	smul.u32 $0xC00, s10;
	s1 =	sadd.s32 s1, s0  }
0xf: {  	s19 =	sadd.s32 s13, s4;
	s8 =	sshrl.u32 s8, $0x3;
	s1 =	sadd.s32 s21, s1  }
0x10: {  	s18 =	sshrl.u32 s19, $0x3;
	s19 =	simm.s32 $0x175C0;
	s21 =	simm.s32 $0x60  }
0x11: {  	s11 =	sadd.s32 s6, s2;
	s12 =	sadd.s32 s7, s2;
	s15 =	sadd.s32 s8, s2  }
0x12: {  	s2 =	sadd.s32 s14, s2;
	s8 =	simm.s32 $0x62;
	s0 =	sadd.s32 s0, s22  }
0x13: {  	s25 =	sadd.s32 $0x18000, s1;
	s22 =	simm.s32 $0x4;
	s8 =	simm.s32 @!p0 $0x61  }
0x14: {  	s23 =	sadd.s32 $0xA00, s11;
	s24 =	sadd.s32 $0x13000, s12;
	[dreg:$0xd] =	wrdreg s0  }
0x15: {  	s26 =	sadd.s32 $0x16A00, s15;
	[dreg:$0x7] =	wrdreg s25;
	s14 =	sadd.s32 $0x22A00, s2  }
0x16: {  	s15 =	smax.u32 s16, $0x1;
	s16 =	sshrl.u32 s17, $0x3;
	[dreg:$0xb] =	wrdreg s23  }
0x17: {  	s17 =	simm.s32 $0xA;
	s25 =	simm.s32 $0x8;
	[dreg:$0xc] =	wrdreg s24  }
0x18: {  	[dreg:$0xe] =	wrdreg s26;
	s30 =	sshll.u32 s8, $0x2;
	s23 =	simm.s32 $0x7  }
0x19: {  	s24 =	simm.s32 $0x5;
	s26 =	simm.s32 $0x6;
	[dreg:$0x8] =	wrdreg s30  }
.LBB2_1:
0x1a: {  	s0 =	rddreg [dreg:$0xa]  }
0x1b: {  	[spmem:s16], [sflag:s9] =	dma.local [hbm:s0], $0x600  }
0x1c: {  	_ =	swait.ge [sflag:s17], $0x600  }
0x1d: {  	[sflag:s17] =	ssyncset.done $0x0  }
0x1e: {  	[sflag:s17] =	ssyncadd.s32 $0xFFFFFA00  }
0x1f: {  	s10 =	rddreg [dreg:$0x2]  }
0x20: {  	[spmem:s18], [sflag:s9] =	dma.local [hbm:s10], $0x20  }
0x21: {  	_ =	swait.ge [sflag:s17], $0x20  }
0x22: {  	[sflag:s17] =	ssyncset.done $0x0  }
0x23: {  	s11 =	rddreg [dreg:$0xb];
	[sflag:s17] =	ssyncadd.s32 $0xFFFFFFE0  }
0x24: {  	[tilespmem:s5], [sflag:$0xA] =	stream.linear.gather [hbm4b:s11+s5], $0x4980, $0x38;
	[tilespmem:$0x1A8C0] =	vst v63  }
0x25: {  	_ =	swait.ge [sflag:s17], $0x4980  }
0x26: {  	[sflag:s17] =	ssyncset.done $0x0  }
0x27: {  	s30 =	simm.s32 $0x4980;
	s12 =	rddreg [dreg:$0xc];
	[sflag:s17] =	ssyncadd.s32 $0xFFFFB680  }
0x28: {  	[tilespmem:s30], [sflag:$0xA] =	stream.linear.gather [hbm4b:s12+s5], $0xC40, $0x38;
	[tilespmem:$0x1A8C0] =	vst v63  }
0x29: {  	_ =	swait.ge [sflag:s17], $0xC40  }
0x2a: {  	[sflag:s17] =	ssyncset.done $0x0  }
0x2b: {  	s13 =	rddreg [dreg:$0x9];
	[sflag:s17] =	ssyncadd.s32 $0xFFFFF3C0  }
0x2c: {  	[tilespmem:s19], [sflag:$0xA] =	stream.linear.gather [hbm4b:s13+s5], $0x200, $0x38;
	[tilespmem:$0x1A8C0] =	vst v63  }
0x2d: {  	_ =	swait.ge [sflag:s17], $0x200  }
0x2e: {  	[sflag:s17] =	ssyncset.done $0x0  }
0x2f: {  	[sflag:s17] =	ssyncadd.s32 $0xFFFFFE00  }
0x30: {  	s1 =	simm.s32 $0x55C0;
	[bflag:$0x0] =	sbarrier.arrive $0xFFFF  }
0x31: {  	s31 =	simm.s32 $0x1;
	s2 =	simm.s32 $0x0;
	s20 =	rddreg [dreg:$0xd]  }
0x32: {  	[tilespmem:s1], [sflag:$0x1] =	stream.linear.gather [hbm4b:s20+s5], $0x6000, $0x38;
	[tilespmem:$0x1A8C0] =	vst v63  }
0x33: {  	s0 =	simm.s32 $0x0;
	s1 =	simm.s32 $0x0;
	s20 =	simm.s32 $0x0  }
.LBB2_2:
0x34: {  	s6 =	smulhi.u32 $0xAAAAAAAB, s20;
	_ =	sdelay $0x1  }
0x35: {  	s6 =	sshrl.u32 s6, $0x1  }
0x36: {  	s7 =	smul.u32 $0xFFFFFFF4, s6;
	_ =	sdelay $0x1  }
0x37: {  	s10 =	sshra.s32 s0, $0x2;
	s7 =	sshra.s32 s7, $0x2  }
0x38: {  	s6 =	smul.u32 $0xFFFB8000, s6;
	s7 =	sadd.s32 s10, s7  }
0x39: {  	s10 =	sadd.s32 $0x1, s7  }
0x3a: {  	s11 =	sshra.s32 s1, $0x2;
	s6 =	sshra.s32 s6, $0x2;
	_ =	swait.ge [sflag:s10], $0x6000  }
0x3b: {  	s12 =	smulhi.u32 $0xAAAAAAAB, s31;
	s6 =	sadd.s32 s11, s6;
	[sflag:s10] =	ssyncset.done $0x0  }
0x3c: {  	s13 =	sadd.s32 $0x55C0, s6;
	s11 =	sadd.s32 $0x4, s7;
	[sflag:s10] =	ssyncadd.s32 $0xFFFFA000  }
0x3d: {  	[spmem:s3] =	stream.indirect.scatter.add.f32 [tilespmem:s13], [sflag:s11], $0x80, s2, s21, $0xb8;
	[tilespmem:$0x1A8C0] =	vst v63  }
0x3e: {  	p0 =	sge.u32 s31, s8;
	s6 =	sadd.s32 $0x85C0, s6;
	s10 =	sadd.s32 $0x60, s2  }
0x3f: {  	[spmem:s3] =	stream.indirect.scatter.add.f32 [tilespmem:s6], [sflag:s11], $0x80, s10, s21, $0xb8;
	[tilespmem:$0x1A8C0] =	vst v63  }
0x40: {  	s7 =	sadd.s32 $0x7, s7;
	s6 =	sshrl.u32 s12, $0x1;
	s10 =	sadd.s32 $0xFFFFFFFF, s31  }
0x41: {  	s13 =	rddreg [dreg:$0x6];
	s12 =	smul.u32 $0xFFFFFFF4, s6;
	p1 =	slt.u32 @!p0 s10, $0x2  }
0x42: {  	[spmem:s4] =	stream.indirect.scatter.add.f32 [tilespmem:s19], [sflag:s7], $0x10, s30, s13, $0xb8;
	[tilespmem:$0x1A8C0] =	vst v63  }
0x43: {  	p1 =	por p1, p0;
	s7 =	sshra.s32 s12, $0x2  }
0x44: {  	s11 =	sshra.s32 @!p1 s0, $0x2;
	s10 =	sadd.s32 $0x5, s7  }
0x45: {  	s10 =	sadd.s32 @!p1 s11, s10  }
0x46: {  	_ =	swait.ge @!p1 [sflag:s10], $0x3000  }
0x47: {  	[sflag:s10] =	ssyncset.done @!p1 $0x0  }
0x48: {  	s6 =	smul.u32 $0xFFFB8000, s6;
	[sflag:s10] =	ssyncadd.s32 @!p1 $0xFFFFD000  }
0x49: {  	s13 =	sshra.s32 @!p0 s0, $0x2;
	_ =	swait.ge @!p1 [sflag:s10], $0x3000  }
0x4a: {  	s6 =	sshra.s32 s6, $0x2;
	s12 =	sadd.s32 $0x8, s7;
	[sflag:s10] =	ssyncset.done @!p1 $0x0  }
0x4b: {  	s0 =	sadd.s32 $0x4, s0;
	[sflag:s10] =	ssyncadd.s32 @!p1 $0xFFFFD000;
	s10 =	sadd.s32 @!p1 s11, s12  }
0x4c: {  	s7 =	sadd.s32 $0x2, s7;
	s6 =	sadd.s32 $0xB5C0, s6;
	_ =	swait.ge @!p1 [sflag:s10], $0x200  }
0x4d: {  	s7 =	sadd.s32 @!p0 s13, s7;
	s12 =	sshra.s32 @!p0 s1, $0x2;
	s11 =	rddreg [dreg:$0x7]  }
0x4e: {  	s6 =	sadd.s32 @!p0 s12, s6;
	[sflag:s10] =	ssyncset.done @!p1 $0x0;
	s13 =	rddreg [dreg:$0x8]  }
0x4f: {  	[sflag:s10] =	ssyncadd.s32 @!p1 $0xFFFFFE00;
	s10 =	sadd.s32 @!p0 s1, s11;
	s11 =	simm.s32 @!p0 $0x0  }
0x50: {  	[tilespmem:s6], [sflag:s7] =	stream.linear.gather @!p0 [hbm4b:s10+s11], $0x6000, $0x38;
	[tilespmem:$0x1A8C0] =	vst v63  }
0x51: {  	p0 =	sne.s32 s13, s0  }
.Ltmp0:
0x52: {  	_ = 	snop;
	(pc) =	sbr.rel @p0 .LBB2_2-.Ltmp0, $3  }
0x53: {  	_ =	sdelay $0x1  }
0x54: {  	s20 =	sadd.s32 $0x1, s20;
	s2 =	sadd.s32 $0xC0, s2  }
0x55: {  	s31 =	sadd.s32 $0x1, s31;
	s30 =	sadd.s32 $0x20, s30;
	s1 =	sadd.s32 $0x18000, s1  }
0x56: {  	_ =	swait.ge [sflag:s22], $0x3000  }
0x57: {  	[sflag:s22] =	ssyncset.done $0x0  }
0x58: {  	[sflag:s22] =	ssyncadd.s32 $0xFFFFD000  }
0x59: {  	_ =	swait.ge [sflag:s22], $0x3000  }
0x5a: {  	[sflag:s22] =	ssyncset.done $0x0  }
0x5b: {  	[sflag:s22] =	ssyncadd.s32 $0xFFFFD000  }
0x5c: {  	_ =	swait.ge [sflag:s23], $0x200  }
0x5d: {  	[sflag:s23] =	ssyncset.done $0x0  }
0x5e: {  	[sflag:s23] =	ssyncadd.s32 $0xFFFFFE00  }
0x5f: {  	_ =	swait.ge [sflag:s24], $0x3000  }
0x60: {  	[sflag:s24] =	ssyncset.done $0x0  }
0x61: {  	[sflag:s24] =	ssyncadd.s32 $0xFFFFD000  }
0x62: {  	_ =	swait.ge [sflag:s24], $0x3000  }
0x63: {  	[sflag:s24] =	ssyncset.done $0x0  }
0x64: {  	[sflag:s24] =	ssyncadd.s32 $0xFFFFD000  }
0x65: {  	_ =	swait.ge [sflag:s25], $0x200  }
0x66: {  	[sflag:s25] =	ssyncset.done $0x0  }
0x67: {  	[sflag:s25] =	ssyncadd.s32 $0xFFFFFE00  }
0x68: {  	_ =	swait.ge [sflag:s26], $0x3000  }
0x69: {  	[sflag:s26] =	ssyncset.done $0x0  }
0x6a: {  	[sflag:s26] =	ssyncadd.s32 $0xFFFFD000  }
0x6b: {  	_ =	swait.ge [sflag:s26], $0x3000  }
0x6c: {  	[sflag:s26] =	ssyncset.done $0x0  }
0x6d: {  	[sflag:s26] =	ssyncadd.s32 $0xFFFFD000  }
0x6e: {  	_ =	swait.ge [sflag:s28], $0x200  }
0x6f: {  	[sflag:s28] =	ssyncset.done $0x0  }
0x70: {  	[sflag:s28] =	ssyncadd.s32 $0xFFFFFE00  }
0x71: {  	[bflag:$0x0] =	sbarrier.arrive $0xFFFF  }
0x72: {  	s0 =	rddreg [dreg:$0xe]  }
0x73: {  	[hbm:s0], [sflag:s9] =	dma.local [spmem:s16], $0x600  }
0x74: {  	s29 =	sadd.s32 $0x1, s29;
	_ =	swait.ge [sflag:s17], $0x600  }
0x75: {  	p0 =	sne.s32 s29, s15;
	[sflag:s17] =	ssyncset.done $0x0  }
.Ltmp1:
0x76: {  	[sflag:s17] =	ssyncadd.s32 $0xFFFFFA00;
	(pc) =	sbr.rel @p0 .LBB2_1-.Ltmp1, $4  }
0x77: {  	[hbm:s14], [sflag:s9] =	dma.local [spmem:s18], $0x20  }
0x78: {  	_ =	swait.ge [sflag:s17], $0x20  }
0x79: {  	[sflag:s17] =	ssyncset.done $0x0  }
0x7a: {  	[sflag:s17] =	ssyncadd.s32 $0xFFFFFFE0  }
0x7b: {  	_ =	sfence.sel $0x180000  }
0x7c: {  	[bflag:$0x0] =	sbarrier.arrive $0xFFFF  }
0x7d: {  	_ =	strace $0x90000047  }
0x7e: {  	s0 =	stileid.u32;
	[bflag:$0x2] =	sbarrier.arrive $0xFFFF  }
0x7f: {  	p0 =	sne.s32 s0, $0x0;
	s0 =	rddreg [dreg:$0x5]  }
0x80: {  	s0 =	sadd.s32 @!p0 $0x100000, s0  }
0x81: {  	[sflag:s0] =	ssyncadd.tile.s32 @!p0 $0x1;
	_ =	shalt  }
.Lfunc_end2:
_tile_overlayer_lowered:
.L_overlay_start_2:
0x82: {  	(tag) =	ssettag $0x2  }
0x83: {  	s0 =	rddreg [dreg:$0x0];
	s2 =	stileid.u32  }
0x84: {  	s1 =	rddreg [dreg:$0x1];
	p0 =	sne.s32 s2, $0x0  }
0x85: {  	s3 =	rddreg [dreg:$0x2];
	[bflag:$0x3] =	sbarrier.arrive $0xFFFF;
	s2 =	simm.s32 @!p0 $0x1C0A  }
0x86: {  	[timem:s3], [sflag:s2] =	dma.local @!p0 [hbm:s0], s1  }
0x87: {  	s0 =	simm.s32 @!p0 $0xA  }
0x88: {  	_ =	swait.ge @!p0 [sflag:s0], s1  }
0x89: {  	s1 =	ssub.s32 @!p0 $0x0, s1;
	[sflag:s0] =	ssyncset.done @!p0 $0x0  }
0x8a: {  	[sflag:s0] =	ssyncadd.s32 @!p0 s1  }
0x8b: {  	[bflag:$0x3] =	sbarrier.arrive $0xFFFF  }
0x8c: {  	_ =	shalt  }

</sc_bundles>
